<compile_context>
chip_gen: v7x
topology: tpu7x:2x2x1
jax: 0.10.2.dev20260603
libtpu: 0.0.44.dev20260713+nightly
codegen_flags: <defaults>
</compile_context>

<pallas_src>
import jax
import jax.numpy as jnp
from jax import lax
from jax.experimental import pallas as pl
from jax.experimental.pallas import tpu as pltpu
from jax.experimental.pallas import tpu_sc as plsc

NC = 2
NS = 16
L = 16
NW = NC * NS
K = 32
TW = 128
NBUF = 8


def kernel(data_u, data_i, u_table, i_table):
    B = data_u.shape[0]
    bw = B // NW
    mesh = plsc.VectorSubcoreMesh(core_axis_name="c", subcore_axis_name="s")

    @pl.kernel(
        mesh=mesh,
        out_type=jax.ShapeDtypeStruct((B,), jnp.float32),
        scratch_types=[
            pltpu.VMEM((bw + L,), jnp.int32),
            pltpu.VMEM((bw + L,), jnp.int32),
            pltpu.VMEM((NBUF, K, TW), jnp.float32),
            pltpu.VMEM((NBUF, K, TW), jnp.float32),
            pltpu.VMEM((bw + L,), jnp.float32),
            [pltpu.SemaphoreType.DMA] * NBUF,
            [pltpu.SemaphoreType.DMA] * NBUF,
        ],
        compiler_params=pltpu.CompilerParams(needs_layout_passes=False),
    )
    def mf(du, di, ut, it, out, idx_u, idx_i, w_u, w_i, out_v,
           sems_u, sems_i):
        wid = lax.axis_index("s") * NC + lax.axis_index("c")
        base = wid * bw

        pltpu.sync_copy(du.at[pl.ds(base, bw)], idx_u.at[pl.ds(0, bw)])
        pltpu.sync_copy(di.at[pl.ds(base, bw)], idx_i.at[pl.ds(0, bw)])

        def issue(e, s):
            ru = idx_u[pl.ds(e, L)][0]
            ri = idx_i[pl.ds(e, L)][0]
            bu = pl.multiple_of((ru >> 7) * TW, TW)
            bi = pl.multiple_of((ri >> 7) * TW, TW)
            pltpu.async_copy(ut.at[:, pl.ds(bu, TW)], w_u.at[s], sems_u[s])
            pltpu.async_copy(it.at[:, pl.ds(bi, TW)], w_i.at[s], sems_i[s])

        klo = lax.iota(jnp.int32, L)
        khi = klo + L
        last_lane = klo == (L - 1)

        def extract(e, s):
            pltpu.make_async_copy(ut.at[:, pl.ds(0, TW)], w_u.at[s],
                                  sems_u[s]).wait()
            pltpu.make_async_copy(it.at[:, pl.ds(0, TW)], w_i.at[s],
                                  sems_i[s]).wait()
            pu = jnp.broadcast_to(idx_u[pl.ds(e, L)][0] & (TW - 1), (L,))
            pi = jnp.broadcast_to(idx_i[pl.ds(e, L)][0] & (TW - 1), (L,))
            p = (plsc.load_gather(w_u.at[s], [klo, pu]) *
                 plsc.load_gather(w_i.at[s], [klo, pi]) +
                 plsc.load_gather(w_u.at[s], [khi, pu]) *
                 plsc.load_gather(w_i.at[s], [khi, pi]))
            acc = plsc.cumsum(p)
            plsc.store_compressed(out_v.at[pl.ds(e, L)], acc, mask=last_lane)

        for s in range(NBUF):
            issue(s, s)

        def body(g, _):
            e0 = g * NBUF
            for s in range(NBUF):
                extract(e0 + s, s)

                @pl.when(e0 + s + NBUF < bw)
                def _():
                    issue(e0 + s + NBUF, s)
            return 0

        lax.fori_loop(0, bw // NBUF, body, 0)

        pltpu.sync_copy(out_v.at[pl.ds(0, bw)], out.at[pl.ds(base, bw)])

    return mf(data_u.astype(jnp.int32), data_i.astype(jnp.int32),
              u_table.T, i_table.T)

# --- scband reference (transcript-rebuilt; emitter-appended) ---
"""Pipeline reference for scband-mf-73572789780793 (READ-ONLY COPY).

The authoritative reference and input builder live on the scoring server;
editing this copy changes nothing except your own understanding.
"""

import jax, jax.numpy as jnp
import numpy as np

N_USERS = 1000000
N_ITEMS = 1000000
K = 32
B = 16384

def setup_inputs(seed: int = 0) -> dict:
    key = jax.random.key(seed)
    k1, k2, k3, k4 = jax.random.split(key, 4)
    data_u = jax.random.randint(k1, (B,), 0, N_USERS, dtype=jnp.int64 if jax.config.read('jax_enable_x64') else jnp.int32)
    data_i = jax.random.randint(k2, (B,), 0, N_ITEMS, dtype=jnp.int64 if jax.config.read('jax_enable_x64') else jnp.int32)
    u_table = jax.random.normal(k3, (N_USERS, K), dtype=jnp.float32)
    i_table = jax.random.normal(k4, (N_ITEMS, K), dtype=jnp.float32)
    return {"data_u": data_u, "data_i": data_i, "u_table": u_table, "i_table": i_table}

def reference(data_u, data_i, u_table, i_table):
    # user_emb = u_emb(data_u).unsqueeze(1) -> [B, 1, K]
    user_emb = jnp.take(u_table, data_u, axis=0)[:, None, :]
    # item_emb = i_emb(data_i).unsqueeze(2) -> [B, K, 1]
    item_emb = jnp.take(i_table, data_i, axis=0)[:, :, None]
    # outputs = user_emb @ item_emb -> [B, 1, 1]
    outputs = jnp.matmul(user_emb, item_emb)
    # squeeze -> [B]
    return jnp.squeeze(outputs)

if __name__ == "__main__":
    import jax
    _d = setup_inputs()
    print(jax.jit(kernel)(*tuple(_d.values())))

</pallas_src>

<mosaic_0001>
#map = affine_map<(d0, d1) -> (0)>
#map1 = affine_map<(d0, d1) -> (0, 0)>
module attributes {stable_mosaic.version = 14 : i64} {
  func.func @mf(%arg0: i32, %arg1: i32, %arg2: memref<16384xi32, #tpu.memory_space<hbm>>, %arg3: memref<16384xi32, #tpu.memory_space<hbm>>, %arg4: memref<32x1000000xf32, #tpu.memory_space<hbm>>, %arg5: memref<32x1000000xf32, #tpu.memory_space<hbm>>, %arg6: memref<16384xf32, #tpu.memory_space<hbm>>, %arg7: memref<528xi32, #tpu.memory_space<vmem>>, %arg8: memref<528xi32, #tpu.memory_space<vmem>>, %arg9: memref<8x32x128xf32, #tpu.memory_space<vmem>>, %arg10: memref<8x32x128xf32, #tpu.memory_space<vmem>>, %arg11: memref<528xf32, #tpu.memory_space<vmem>>, %arg12: memref<!tpu.dma_semaphore, #tpu.memory_space<semaphore_mem>>, %arg13: memref<!tpu.dma_semaphore, #tpu.memory_space<semaphore_mem>>, %arg14: memref<!tpu.dma_semaphore, #tpu.memory_space<semaphore_mem>>, %arg15: memref<!tpu.dma_semaphore, #tpu.memory_space<semaphore_mem>>, %arg16: memref<!tpu.dma_semaphore, #tpu.memory_space<semaphore_mem>>, %arg17: memref<!tpu.dma_semaphore, #tpu.memory_space<semaphore_mem>>, %arg18: memref<!tpu.dma_semaphore, #tpu.memory_space<semaphore_mem>>, %arg19: memref<!tpu.dma_semaphore, #tpu.memory_space<semaphore_mem>>, %arg20: memref<!tpu.dma_semaphore, #tpu.memory_space<semaphore_mem>>, %arg21: memref<!tpu.dma_semaphore, #tpu.memory_space<semaphore_mem>>, %arg22: memref<!tpu.dma_semaphore, #tpu.memory_space<semaphore_mem>>, %arg23: memref<!tpu.dma_semaphore, #tpu.memory_space<semaphore_mem>>, %arg24: memref<!tpu.dma_semaphore, #tpu.memory_space<semaphore_mem>>, %arg25: memref<!tpu.dma_semaphore, #tpu.memory_space<semaphore_mem>>, %arg26: memref<!tpu.dma_semaphore, #tpu.memory_space<semaphore_mem>>, %arg27: memref<!tpu.dma_semaphore, #tpu.memory_space<semaphore_mem>>) attributes {dimension_semantics = [#tpu.dimension_semantics<core_parallel>, #tpu.dimension_semantics<subcore_parallel>], iteration_bounds = array<i64: 2, 16>, scalar_prefetch = 0 : i64, scratch_operands = 21 : i64, tpu.core_type = #tpu.core_type<sc_vector_subcore>, window_params = [{transform_indices = #map}, {transform_indices = #map}, {transform_indices = #map1}, {transform_indices = #map1}, {transform_indices = #map}]} {
    %mul3A = arith.constant 2 : i32
    %mul3A_0 = arith.muli %arg1, %mul3A : i32
    %add3A = arith.addi %mul3A_0, %arg0 : i32
    %mul3A_1 = arith.constant 512 : i32
    %mul3A_2 = arith.muli %add3A, %mul3A_1 : i32
    "tpu.region"() ({
      %run_scoped3A = tpu.sem_alloc : memref<!tpu.dma_semaphore, #tpu.memory_space<semaphore_mem>>
      %dma_start3A_360 = arith.constant 0 : i32
      %dma_start3A_361 = tpu.memref_slice %arg7[%dma_start3A_360] : memref<528xi32, #tpu.memory_space<vmem>> -> memref<512xi32, #tpu.memory_space<vmem>>
      %dma_start3A_362 = tpu.memref_slice %arg2[%mul3A_2] : memref<16384xi32, #tpu.memory_space<hbm>> -> memref<512xi32, #tpu.memory_space<hbm>>
      %dma_start3A_363 = arith.constant 0 : i32
      %dma_start3A_364 = tpu.memref_slice %arg7[%dma_start3A_363] : memref<528xi32, #tpu.memory_space<vmem>> -> memref<512xi32, #tpu.memory_space<vmem>>
      %dma_start3A_365 = tpu.memref_slice %arg2[%mul3A_2] : memref<16384xi32, #tpu.memory_space<hbm>> -> memref<512xi32, #tpu.memory_space<hbm>>
      tpu.enqueue_dma source(%dma_start3A_365 : memref<512xi32, #tpu.memory_space<hbm>>) target(%dma_start3A_364 : memref<512xi32, #tpu.memory_space<vmem>>) target_semaphore(%run_scoped3A : memref<!tpu.dma_semaphore, #tpu.memory_space<semaphore_mem>>)
      %dma_wait3A = arith.constant 0 : i32
      %dma_wait3A_366 = tpu.memref_slice %arg7[%dma_wait3A] : memref<528xi32, #tpu.memory_space<vmem>> -> memref<512xi32, #tpu.memory_space<vmem>>
      %dma_wait3A_367 = tpu.memref_slice %arg2[%mul3A_2] : memref<16384xi32, #tpu.memory_space<hbm>> -> memref<512xi32, #tpu.memory_space<hbm>>
      %dma_wait3A_368 = arith.constant 0 : i32
      %dma_wait3A_369 = tpu.memref_slice %arg7[%dma_wait3A_368] : memref<528xi32, #tpu.memory_space<vmem>> -> memref<512xi32, #tpu.memory_space<vmem>>
      %dma_wait3A_370 = tpu.memref_slice %arg2[%mul3A_2] : memref<16384xi32, #tpu.memory_space<hbm>> -> memref<512xi32, #tpu.memory_space<hbm>>
      tpu.wait_dma2 semaphore(%run_scoped3A : memref<!tpu.dma_semaphore, #tpu.memory_space<semaphore_mem>>) src(%dma_wait3A_370 : memref<512xi32, #tpu.memory_space<hbm>>) dst(%dma_wait3A_369 : memref<512xi32, #tpu.memory_space<vmem>>)
      tpu.yield
    }) : () -> ()
    "tpu.region"() ({
      %run_scoped3A = tpu.sem_alloc : memref<!tpu.dma_semaphore, #tpu.memory_space<semaphore_mem>>
      %dma_start3A_360 = arith.constant 0 : i32
      %dma_start3A_361 = tpu.memref_slice %arg8[%dma_start3A_360] : memref<528xi32, #tpu.memory_space<vmem>> -> memref<512xi32, #tpu.memory_space<vmem>>
      %dma_start3A_362 = tpu.memref_slice %arg3[%mul3A_2] : memref<16384xi32, #tpu.memory_space<hbm>> -> memref<512xi32, #tpu.memory_space<hbm>>
      %dma_start3A_363 = arith.constant 0 : i32
      %dma_start3A_364 = tpu.memref_slice %arg8[%dma_start3A_363] : memref<528xi32, #tpu.memory_space<vmem>> -> memref<512xi32, #tpu.memory_space<vmem>>
      %dma_start3A_365 = tpu.memref_slice %arg3[%mul3A_2] : memref<16384xi32, #tpu.memory_space<hbm>> -> memref<512xi32, #tpu.memory_space<hbm>>
      tpu.enqueue_dma source(%dma_start3A_365 : memref<512xi32, #tpu.memory_space<hbm>>) target(%dma_start3A_364 : memref<512xi32, #tpu.memory_space<vmem>>) target_semaphore(%run_scoped3A : memref<!tpu.dma_semaphore, #tpu.memory_space<semaphore_mem>>)
      %dma_wait3A = arith.constant 0 : i32
      %dma_wait3A_366 = tpu.memref_slice %arg8[%dma_wait3A] : memref<528xi32, #tpu.memory_space<vmem>> -> memref<512xi32, #tpu.memory_space<vmem>>
      %dma_wait3A_367 = tpu.memref_slice %arg3[%mul3A_2] : memref<16384xi32, #tpu.memory_space<hbm>> -> memref<512xi32, #tpu.memory_space<hbm>>
      %dma_wait3A_368 = arith.constant 0 : i32
      %dma_wait3A_369 = tpu.memref_slice %arg8[%dma_wait3A_368] : memref<528xi32, #tpu.memory_space<vmem>> -> memref<512xi32, #tpu.memory_space<vmem>>
      %dma_wait3A_370 = tpu.memref_slice %arg3[%mul3A_2] : memref<16384xi32, #tpu.memory_space<hbm>> -> memref<512xi32, #tpu.memory_space<hbm>>
      tpu.wait_dma2 semaphore(%run_scoped3A : memref<!tpu.dma_semaphore, #tpu.memory_space<semaphore_mem>>) src(%dma_wait3A_370 : memref<512xi32, #tpu.memory_space<hbm>>) dst(%dma_wait3A_369 : memref<512xi32, #tpu.memory_space<vmem>>)
      tpu.yield
    }) : () -> ()
    %iota3A = tpu.iota {dimensions = array<i32: 0>} : vector<16xi32>
    %add3A_3 = arith.constant 16 : i32
    %add3A_4 = vector.broadcast %add3A_3 : i32 to vector<16xi32>
    %add3A_5 = arith.addi %iota3A, %add3A_4 : vector<16xi32>
    %eq3A = arith.constant 15 : i32
    %eq3A_6 = vector.broadcast %eq3A : i32 to vector<16xi32>
    %eq3A_7 = arith.cmpi eq, %iota3A, %eq3A_6 : vector<16xi32>
    %get3A = arith.constant 0 : index
    %get3A_8 = tpu.vector_load %arg7[%get3A] {strides = array<i32>} : memref<528xi32, #tpu.memory_space<vmem>>, vector<16xi32>,
    %slice3A = vector.extract_strided_slice %get3A_8 {offsets = [0], sizes = [1], strides = [1]} : vector<16xi32> to vector<1xi32>
    %squeeze3A = vector.extract %slice3A[0] : i32 from vector<1xi32>
    %get3A_9 = arith.constant 0 : index
    %get3A_10 = tpu.vector_load %arg8[%get3A_9] {strides = array<i32>} : memref<528xi32, #tpu.memory_space<vmem>>, vector<16xi32>,
    %slice3A_11 = vector.extract_strided_slice %get3A_10 {offsets = [0], sizes = [1], strides = [1]} : vector<16xi32> to vector<1xi32>
    %squeeze3A_12 = vector.extract %slice3A_11[0] : i32 from vector<1xi32>
    %shift_right_arithmetic3A = arith.constant 7 : i32
    %shift_right_arithmetic3A_13 = arith.shrsi %squeeze3A, %shift_right_arithmetic3A : i32
    %mul3A_14 = arith.constant 128 : i32
    %mul3A_15 = arith.muli %shift_right_arithmetic3A_13, %mul3A_14 : i32
    %multiple_of3A = tpu.assume_multiple %mul3A_15, 128 : i32
    %shift_right_arithmetic3A_16 = arith.constant 7 : i32
    %shift_right_arithmetic3A_17 = arith.shrsi %squeeze3A_12, %shift_right_arithmetic3A_16 : i32
    %mul3A_18 = arith.constant 128 : i32
    %mul3A_19 = arith.muli %shift_right_arithmetic3A_17, %mul3A_18 : i32
    %multiple_of3A_20 = tpu.assume_multiple %mul3A_19, 128 : i32
    %dma_start3A = arith.constant 0 : i32
    %dma_start3A_21 = arith.constant 0 : i32
    %dma_start3A_22 = arith.constant 0 : i32
    %dma_start3A_23 = tpu.memref_slice %arg9[%dma_start3A, %dma_start3A_21, %dma_start3A_22] : memref<8x32x128xf32, #tpu.memory_space<vmem>> -> memref<1x32x128xf32, #tpu.memory_space<vmem>>
    %dma_start3A_24 = tpu.memref_squeeze %dma_start3A_23 : memref<1x32x128xf32, #tpu.memory_space<vmem>> -> memref<32x128xf32, #tpu.memory_space<vmem>>
    %dma_start3A_25 = arith.constant 0 : i32
    %dma_start3A_26 = tpu.memref_slice %arg4[%dma_start3A_25, %multiple_of3A] : memref<32x1000000xf32, #tpu.memory_space<hbm>> -> memref<32x128xf32, #tpu.memory_space<hbm>>
    %dma_start3A_27 = arith.constant 0 : i32
    %dma_start3A_28 = arith.constant 0 : i32
    %dma_start3A_29 = tpu.memref_slice %arg9[%dma_start3A, %dma_start3A_27, %dma_start3A_28] : memref<8x32x128xf32, #tpu.memory_space<vmem>> -> memref<1x32x128xf32, #tpu.memory_space<vmem>>
    %dma_start3A_30 = tpu.memref_squeeze %dma_start3A_29 : memref<1x32x128xf32, #tpu.memory_space<vmem>> -> memref<32x128xf32, #tpu.memory_space<vmem>>
    %dma_start3A_31 = arith.constant 0 : i32
    %dma_start3A_32 = tpu.memref_slice %arg4[%dma_start3A_31, %multiple_of3A] : memref<32x1000000xf32, #tpu.memory_space<hbm>> -> memref<32x128xf32, #tpu.memory_space<hbm>>
    tpu.enqueue_dma source(%dma_start3A_32 : memref<32x128xf32, #tpu.memory_space<hbm>>) target(%dma_start3A_30 : memref<32x128xf32, #tpu.memory_space<vmem>>) target_semaphore(%arg12 : memref<!tpu.dma_semaphore, #tpu.memory_space<semaphore_mem>>)
    %dma_start3A_33 = arith.constant 0 : i32
    %dma_start3A_34 = arith.constant 0 : i32
    %dma_start3A_35 = arith.constant 0 : i32
    %dma_start3A_36 = tpu.memref_slice %arg10[%dma_start3A_33, %dma_start3A_34, %dma_start3A_35] : memref<8x32x128xf32, #tpu.memory_space<vmem>> -> memref<1x32x128xf32, #tpu.memory_space<vmem>>
    %dma_start3A_37 = tpu.memref_squeeze %dma_start3A_36 : memref<1x32x128xf32, #tpu.memory_space<vmem>> -> memref<32x128xf32, #tpu.memory_space<vmem>>
    %dma_start3A_38 = arith.constant 0 : i32
    %dma_start3A_39 = tpu.memref_slice %arg5[%dma_start3A_38, %multiple_of3A_20] : memref<32x1000000xf32, #tpu.memory_space<hbm>> -> memref<32x128xf32, #tpu.memory_space<hbm>>
    %dma_start3A_40 = arith.constant 0 : i32
    %dma_start3A_41 = arith.constant 0 : i32
    %dma_start3A_42 = tpu.memref_slice %arg10[%dma_start3A_33, %dma_start3A_40, %dma_start3A_41] : memref<8x32x128xf32, #tpu.memory_space<vmem>> -> memref<1x32x128xf32, #tpu.memory_space<vmem>>
    %dma_start3A_43 = tpu.memref_squeeze %dma_start3A_42 : memref<1x32x128xf32, #tpu.memory_space<vmem>> -> memref<32x128xf32, #tpu.memory_space<vmem>>
    %dma_start3A_44 = arith.constant 0 : i32
    %dma_start3A_45 = tpu.memref_slice %arg5[%dma_start3A_44, %multiple_of3A_20] : memref<32x1000000xf32, #tpu.memory_space<hbm>> -> memref<32x128xf32, #tpu.memory_space<hbm>>
    tpu.enqueue_dma source(%dma_start3A_45 : memref<32x128xf32, #tpu.memory_space<hbm>>) target(%dma_start3A_43 : memref<32x128xf32, #tpu.memory_space<vmem>>) target_semaphore(%arg20 : memref<!tpu.dma_semaphore, #tpu.memory_space<semaphore_mem>>)
    %get3A_46 = arith.constant 1 : index
    %get3A_47 = tpu.vector_load %arg7[%get3A_46] {strides = array<i32>} : memref<528xi32, #tpu.memory_space<vmem>>, vector<16xi32>,
    %slice3A_48 = vector.extract_strided_slice %get3A_47 {offsets = [0], sizes = [1], strides = [1]} : vector<16xi32> to vector<1xi32>
    %squeeze3A_49 = vector.extract %slice3A_48[0] : i32 from vector<1xi32>
    %get3A_50 = arith.constant 1 : index
    %get3A_51 = tpu.vector_load %arg8[%get3A_50] {strides = array<i32>} : memref<528xi32, #tpu.memory_space<vmem>>, vector<16xi32>,
    %slice3A_52 = vector.extract_strided_slice %get3A_51 {offsets = [0], sizes = [1], strides = [1]} : vector<16xi32> to vector<1xi32>
    %squeeze3A_53 = vector.extract %slice3A_52[0] : i32 from vector<1xi32>
    %shift_right_arithmetic3A_54 = arith.constant 7 : i32
    %shift_right_arithmetic3A_55 = arith.shrsi %squeeze3A_49, %shift_right_arithmetic3A_54 : i32
    %mul3A_56 = arith.constant 128 : i32
    %mul3A_57 = arith.muli %shift_right_arithmetic3A_55, %mul3A_56 : i32
    %multiple_of3A_58 = tpu.assume_multiple %mul3A_57, 128 : i32
    %shift_right_arithmetic3A_59 = arith.constant 7 : i32
    %shift_right_arithmetic3A_60 = arith.shrsi %squeeze3A_53, %shift_right_arithmetic3A_59 : i32
    %mul3A_61 = arith.constant 128 : i32
    %mul3A_62 = arith.muli %shift_right_arithmetic3A_60, %mul3A_61 : i32
    %multiple_of3A_63 = tpu.assume_multiple %mul3A_62, 128 : i32
    %dma_start3A_64 = arith.constant 1 : i32
    %dma_start3A_65 = arith.constant 0 : i32
    %dma_start3A_66 = arith.constant 0 : i32
    %dma_start3A_67 = tpu.memref_slice %arg9[%dma_start3A_64, %dma_start3A_65, %dma_start3A_66] : memref<8x32x128xf32, #tpu.memory_space<vmem>> -> memref<1x32x128xf32, #tpu.memory_space<vmem>>
    %dma_start3A_68 = tpu.memref_squeeze %dma_start3A_67 : memref<1x32x128xf32, #tpu.memory_space<vmem>> -> memref<32x128xf32, #tpu.memory_space<vmem>>
    %dma_start3A_69 = arith.constant 0 : i32
    %dma_start3A_70 = tpu.memref_slice %arg4[%dma_start3A_69, %multiple_of3A_58] : memref<32x1000000xf32, #tpu.memory_space<hbm>> -> memref<32x128xf32, #tpu.memory_space<hbm>>
    %dma_start3A_71 = arith.constant 0 : i32
    %dma_start3A_72 = arith.constant 0 : i32
    %dma_start3A_73 = tpu.memref_slice %arg9[%dma_start3A_64, %dma_start3A_71, %dma_start3A_72] : memref<8x32x128xf32, #tpu.memory_space<vmem>> -> memref<1x32x128xf32, #tpu.memory_space<vmem>>
    %dma_start3A_74 = tpu.memref_squeeze %dma_start3A_73 : memref<1x32x128xf32, #tpu.memory_space<vmem>> -> memref<32x128xf32, #tpu.memory_space<vmem>>
    %dma_start3A_75 = arith.constant 0 : i32
    %dma_start3A_76 = tpu.memref_slice %arg4[%dma_start3A_75, %multiple_of3A_58] : memref<32x1000000xf32, #tpu.memory_space<hbm>> -> memref<32x128xf32, #tpu.memory_space<hbm>>
    tpu.enqueue_dma source(%dma_start3A_76 : memref<32x128xf32, #tpu.memory_space<hbm>>) target(%dma_start3A_74 : memref<32x128xf32, #tpu.memory_space<vmem>>) target_semaphore(%arg13 : memref<!tpu.dma_semaphore, #tpu.memory_space<semaphore_mem>>)
    %dma_start3A_77 = arith.constant 1 : i32
    %dma_start3A_78 = arith.constant 0 : i32
    %dma_start3A_79 = arith.constant 0 : i32
    %dma_start3A_80 = tpu.memref_slice %arg10[%dma_start3A_77, %dma_start3A_78, %dma_start3A_79] : memref<8x32x128xf32, #tpu.memory_space<vmem>> -> memref<1x32x128xf32, #tpu.memory_space<vmem>>
    %dma_start3A_81 = tpu.memref_squeeze %dma_start3A_80 : memref<1x32x128xf32, #tpu.memory_space<vmem>> -> memref<32x128xf32, #tpu.memory_space<vmem>>
    %dma_start3A_82 = arith.constant 0 : i32
    %dma_start3A_83 = tpu.memref_slice %arg5[%dma_start3A_82, %multiple_of3A_63] : memref<32x1000000xf32, #tpu.memory_space<hbm>> -> memref<32x128xf32, #tpu.memory_space<hbm>>
    %dma_start3A_84 = arith.constant 0 : i32
    %dma_start3A_85 = arith.constant 0 : i32
    %dma_start3A_86 = tpu.memref_slice %arg10[%dma_start3A_77, %dma_start3A_84, %dma_start3A_85] : memref<8x32x128xf32, #tpu.memory_space<vmem>> -> memref<1x32x128xf32, #tpu.memory_space<vmem>>
    %dma_start3A_87 = tpu.memref_squeeze %dma_start3A_86 : memref<1x32x128xf32, #tpu.memory_space<vmem>> -> memref<32x128xf32, #tpu.memory_space<vmem>>
    %dma_start3A_88 = arith.constant 0 : i32
    %dma_start3A_89 = tpu.memref_slice %arg5[%dma_start3A_88, %multiple_of3A_63] : memref<32x1000000xf32, #tpu.memory_space<hbm>> -> memref<32x128xf32, #tpu.memory_space<hbm>>
    tpu.enqueue_dma source(%dma_start3A_89 : memref<32x128xf32, #tpu.memory_space<hbm>>) target(%dma_start3A_87 : memref<32x128xf32, #tpu.memory_space<vmem>>) target_semaphore(%arg21 : memref<!tpu.dma_semaphore, #tpu.memory_space<semaphore_mem>>)
    %get3A_90 = arith.constant 2 : index
    %get3A_91 = tpu.vector_load %arg7[%get3A_90] {strides = array<i32>} : memref<528xi32, #tpu.memory_space<vmem>>, vector<16xi32>,
    %slice3A_92 = vector.extract_strided_slice %get3A_91 {offsets = [0], sizes = [1], strides = [1]} : vector<16xi32> to vector<1xi32>
    %squeeze3A_93 = vector.extract %slice3A_92[0] : i32 from vector<1xi32>
    %get3A_94 = arith.constant 2 : index
    %get3A_95 = tpu.vector_load %arg8[%get3A_94] {strides = array<i32>} : memref<528xi32, #tpu.memory_space<vmem>>, vector<16xi32>,
    %slice3A_96 = vector.extract_strided_slice %get3A_95 {offsets = [0], sizes = [1], strides = [1]} : vector<16xi32> to vector<1xi32>
    %squeeze3A_97 = vector.extract %slice3A_96[0] : i32 from vector<1xi32>
    %shift_right_arithmetic3A_98 = arith.constant 7 : i32
    %shift_right_arithmetic3A_99 = arith.shrsi %squeeze3A_93, %shift_right_arithmetic3A_98 : i32
    %mul3A_100 = arith.constant 128 : i32
    %mul3A_101 = arith.muli %shift_right_arithmetic3A_99, %mul3A_100 : i32
    %multiple_of3A_102 = tpu.assume_multiple %mul3A_101, 128 : i32
    %shift_right_arithmetic3A_103 = arith.constant 7 : i32
    %shift_right_arithmetic3A_104 = arith.shrsi %squeeze3A_97, %shift_right_arithmetic3A_103 : i32
    %mul3A_105 = arith.constant 128 : i32
    %mul3A_106 = arith.muli %shift_right_arithmetic3A_104, %mul3A_105 : i32
    %multiple_of3A_107 = tpu.assume_multiple %mul3A_106, 128 : i32
    %dma_start3A_108 = arith.constant 2 : i32
    %dma_start3A_109 = arith.constant 0 : i32
    %dma_start3A_110 = arith.constant 0 : i32
    %dma_start3A_111 = tpu.memref_slice %arg9[%dma_start3A_108, %dma_start3A_109, %dma_start3A_110] : memref<8x32x128xf32, #tpu.memory_space<vmem>> -> memref<1x32x128xf32, #tpu.memory_space<vmem>>
    %dma_start3A_112 = tpu.memref_squeeze %dma_start3A_111 : memref<1x32x128xf32, #tpu.memory_space<vmem>> -> memref<32x128xf32, #tpu.memory_space<vmem>>
    %dma_start3A_113 = arith.constant 0 : i32
    %dma_start3A_114 = tpu.memref_slice %arg4[%dma_start3A_113, %multiple_of3A_102] : memref<32x1000000xf32, #tpu.memory_space<hbm>> -> memref<32x128xf32, #tpu.memory_space<hbm>>
    %dma_start3A_115 = arith.constant 0 : i32
    %dma_start3A_116 = arith.constant 0 : i32
    %dma_start3A_117 = tpu.memref_slice %arg9[%dma_start3A_108, %dma_start3A_115, %dma_start3A_116] : memref<8x32x128xf32, #tpu.memory_space<vmem>> -> memref<1x32x128xf32, #tpu.memory_space<vmem>>
    %dma_start3A_118 = tpu.memref_squeeze %dma_start3A_117 : memref<1x32x128xf32, #tpu.memory_space<vmem>> -> memref<32x128xf32, #tpu.memory_space<vmem>>
    %dma_start3A_119 = arith.constant 0 : i32
    %dma_start3A_120 = tpu.memref_slice %arg4[%dma_start3A_119, %multiple_of3A_102] : memref<32x1000000xf32, #tpu.memory_space<hbm>> -> memref<32x128xf32, #tpu.memory_space<hbm>>
    tpu.enqueue_dma source(%dma_start3A_120 : memref<32x128xf32, #tpu.memory_space<hbm>>) target(%dma_start3A_118 : memref<32x128xf32, #tpu.memory_space<vmem>>) target_semaphore(%arg14 : memref<!tpu.dma_semaphore, #tpu.memory_space<semaphore_mem>>)
    %dma_start3A_121 = arith.constant 2 : i32
    %dma_start3A_122 = arith.constant 0 : i32
    %dma_start3A_123 = arith.constant 0 : i32
    %dma_start3A_124 = tpu.memref_slice %arg10[%dma_start3A_121, %dma_start3A_122, %dma_start3A_123] : memref<8x32x128xf32, #tpu.memory_space<vmem>> -> memref<1x32x128xf32, #tpu.memory_space<vmem>>
    %dma_start3A_125 = tpu.memref_squeeze %dma_start3A_124 : memref<1x32x128xf32, #tpu.memory_space<vmem>> -> memref<32x128xf32, #tpu.memory_space<vmem>>
    %dma_start3A_126 = arith.constant 0 : i32
    %dma_start3A_127 = tpu.memref_slice %arg5[%dma_start3A_126, %multiple_of3A_107] : memref<32x1000000xf32, #tpu.memory_space<hbm>> -> memref<32x128xf32, #tpu.memory_space<hbm>>
    %dma_start3A_128 = arith.constant 0 : i32
    %dma_start3A_129 = arith.constant 0 : i32
    %dma_start3A_130 = tpu.memref_slice %arg10[%dma_start3A_121, %dma_start3A_128, %dma_start3A_129] : memref<8x32x128xf32, #tpu.memory_space<vmem>> -> memref<1x32x128xf32, #tpu.memory_space<vmem>>
    %dma_start3A_131 = tpu.memref_squeeze %dma_start3A_130 : memref<1x32x128xf32, #tpu.memory_space<vmem>> -> memref<32x128xf32, #tpu.memory_space<vmem>>
    %dma_start3A_132 = arith.constant 0 : i32
    %dma_start3A_133 = tpu.memref_slice %arg5[%dma_start3A_132, %multiple_of3A_107] : memref<32x1000000xf32, #tpu.memory_space<hbm>> -> memref<32x128xf32, #tpu.memory_space<hbm>>
    tpu.enqueue_dma source(%dma_start3A_133 : memref<32x128xf32, #tpu.memory_space<hbm>>) target(%dma_start3A_131 : memref<32x128xf32, #tpu.memory_space<vmem>>) target_semaphore(%arg22 : memref<!tpu.dma_semaphore, #tpu.memory_space<semaphore_mem>>)
    %get3A_134 = arith.constant 3 : index
    %get3A_135 = tpu.vector_load %arg7[%get3A_134] {strides = array<i32>} : memref<528xi32, #tpu.memory_space<vmem>>, vector<16xi32>,
    %slice3A_136 = vector.extract_strided_slice %get3A_135 {offsets = [0], sizes = [1], strides = [1]} : vector<16xi32> to vector<1xi32>
    %squeeze3A_137 = vector.extract %slice3A_136[0] : i32 from vector<1xi32>
    %get3A_138 = arith.constant 3 : index
    %get3A_139 = tpu.vector_load %arg8[%get3A_138] {strides = array<i32>} : memref<528xi32, #tpu.memory_space<vmem>>, vector<16xi32>,
    %slice3A_140 = vector.extract_strided_slice %get3A_139 {offsets = [0], sizes = [1], strides = [1]} : vector<16xi32> to vector<1xi32>
    %squeeze3A_141 = vector.extract %slice3A_140[0] : i32 from vector<1xi32>
    %shift_right_arithmetic3A_142 = arith.constant 7 : i32
    %shift_right_arithmetic3A_143 = arith.shrsi %squeeze3A_137, %shift_right_arithmetic3A_142 : i32
    %mul3A_144 = arith.constant 128 : i32
    %mul3A_145 = arith.muli %shift_right_arithmetic3A_143, %mul3A_144 : i32
    %multiple_of3A_146 = tpu.assume_multiple %mul3A_145, 128 : i32
    %shift_right_arithmetic3A_147 = arith.constant 7 : i32
    %shift_right_arithmetic3A_148 = arith.shrsi %squeeze3A_141, %shift_right_arithmetic3A_147 : i32
    %mul3A_149 = arith.constant 128 : i32
    %mul3A_150 = arith.muli %shift_right_arithmetic3A_148, %mul3A_149 : i32
    %multiple_of3A_151 = tpu.assume_multiple %mul3A_150, 128 : i32
    %dma_start3A_152 = arith.constant 3 : i32
    %dma_start3A_153 = arith.constant 0 : i32
    %dma_start3A_154 = arith.constant 0 : i32
    %dma_start3A_155 = tpu.memref_slice %arg9[%dma_start3A_152, %dma_start3A_153, %dma_start3A_154] : memref<8x32x128xf32, #tpu.memory_space<vmem>> -> memref<1x32x128xf32, #tpu.memory_space<vmem>>
    %dma_start3A_156 = tpu.memref_squeeze %dma_start3A_155 : memref<1x32x128xf32, #tpu.memory_space<vmem>> -> memref<32x128xf32, #tpu.memory_space<vmem>>
    %dma_start3A_157 = arith.constant 0 : i32
    %dma_start3A_158 = tpu.memref_slice %arg4[%dma_start3A_157, %multiple_of3A_146] : memref<32x1000000xf32, #tpu.memory_space<hbm>> -> memref<32x128xf32, #tpu.memory_space<hbm>>
    %dma_start3A_159 = arith.constant 0 : i32
    %dma_start3A_160 = arith.constant 0 : i32
    %dma_start3A_161 = tpu.memref_slice %arg9[%dma_start3A_152, %dma_start3A_159, %dma_start3A_160] : memref<8x32x128xf32, #tpu.memory_space<vmem>> -> memref<1x32x128xf32, #tpu.memory_space<vmem>>
    %dma_start3A_162 = tpu.memref_squeeze %dma_start3A_161 : memref<1x32x128xf32, #tpu.memory_space<vmem>> -> memref<32x128xf32, #tpu.memory_space<vmem>>
    %dma_start3A_163 = arith.constant 0 : i32
    %dma_start3A_164 = tpu.memref_slice %arg4[%dma_start3A_163, %multiple_of3A_146] : memref<32x1000000xf32, #tpu.memory_space<hbm>> -> memref<32x128xf32, #tpu.memory_space<hbm>>
    tpu.enqueue_dma source(%dma_start3A_164 : memref<32x128xf32, #tpu.memory_space<hbm>>) target(%dma_start3A_162 : memref<32x128xf32, #tpu.memory_space<vmem>>) target_semaphore(%arg15 : memref<!tpu.dma_semaphore, #tpu.memory_space<semaphore_mem>>)
    %dma_start3A_165 = arith.constant 3 : i32
    %dma_start3A_166 = arith.constant 0 : i32
    %dma_start3A_167 = arith.constant 0 : i32
    %dma_start3A_168 = tpu.memref_slice %arg10[%dma_start3A_165, %dma_start3A_166, %dma_start3A_167] : memref<8x32x128xf32, #tpu.memory_space<vmem>> -> memref<1x32x128xf32, #tpu.memory_space<vmem>>
    %dma_start3A_169 = tpu.memref_squeeze %dma_start3A_168 : memref<1x32x128xf32, #tpu.memory_space<vmem>> -> memref<32x128xf32, #tpu.memory_space<vmem>>
    %dma_start3A_170 = arith.constant 0 : i32
    %dma_start3A_171 = tpu.memref_slice %arg5[%dma_start3A_170, %multiple_of3A_151] : memref<32x1000000xf32, #tpu.memory_space<hbm>> -> memref<32x128xf32, #tpu.memory_space<hbm>>
    %dma_start3A_172 = arith.constant 0 : i32
    %dma_start3A_173 = arith.constant 0 : i32
    %dma_start3A_174 = tpu.memref_slice %arg10[%dma_start3A_165, %dma_start3A_172, %dma_start3A_173] : memref<8x32x128xf32, #tpu.memory_space<vmem>> -> memref<1x32x128xf32, #tpu.memory_space<vmem>>
    %dma_start3A_175 = tpu.memref_squeeze %dma_start3A_174 : memref<1x32x128xf32, #tpu.memory_space<vmem>> -> memref<32x128xf32, #tpu.memory_space<vmem>>
    %dma_start3A_176 = arith.constant 0 : i32
    %dma_start3A_177 = tpu.memref_slice %arg5[%dma_start3A_176, %multiple_of3A_151] : memref<32x1000000xf32, #tpu.memory_space<hbm>> -> memref<32x128xf32, #tpu.memory_space<hbm>>
    tpu.enqueue_dma source(%dma_start3A_177 : memref<32x128xf32, #tpu.memory_space<hbm>>) target(%dma_start3A_175 : memref<32x128xf32, #tpu.memory_space<vmem>>) target_semaphore(%arg23 : memref<!tpu.dma_semaphore, #tpu.memory_space<semaphore_mem>>)
    %get3A_178 = arith.constant 4 : index
    %get3A_179 = tpu.vector_load %arg7[%get3A_178] {strides = array<i32>} : memref<528xi32, #tpu.memory_space<vmem>>, vector<16xi32>,
    %slice3A_180 = vector.extract_strided_slice %get3A_179 {offsets = [0], sizes = [1], strides = [1]} : vector<16xi32> to vector<1xi32>
    %squeeze3A_181 = vector.extract %slice3A_180[0] : i32 from vector<1xi32>
    %get3A_182 = arith.constant 4 : index
    %get3A_183 = tpu.vector_load %arg8[%get3A_182] {strides = array<i32>} : memref<528xi32, #tpu.memory_space<vmem>>, vector<16xi32>,
    %slice3A_184 = vector.extract_strided_slice %get3A_183 {offsets = [0], sizes = [1], strides = [1]} : vector<16xi32> to vector<1xi32>
    %squeeze3A_185 = vector.extract %slice3A_184[0] : i32 from vector<1xi32>
    %shift_right_arithmetic3A_186 = arith.constant 7 : i32
    %shift_right_arithmetic3A_187 = arith.shrsi %squeeze3A_181, %shift_right_arithmetic3A_186 : i32
    %mul3A_188 = arith.constant 128 : i32
    %mul3A_189 = arith.muli %shift_right_arithmetic3A_187, %mul3A_188 : i32
    %multiple_of3A_190 = tpu.assume_multiple %mul3A_189, 128 : i32
    %shift_right_arithmetic3A_191 = arith.constant 7 : i32
    %shift_right_arithmetic3A_192 = arith.shrsi %squeeze3A_185, %shift_right_arithmetic3A_191 : i32
    %mul3A_193 = arith.constant 128 : i32
    %mul3A_194 = arith.muli %shift_right_arithmetic3A_192, %mul3A_193 : i32
    %multiple_of3A_195 = tpu.assume_multiple %mul3A_194, 128 : i32
    %dma_start3A_196 = arith.constant 4 : i32
    %dma_start3A_197 = arith.constant 0 : i32
    %dma_start3A_198 = arith.constant 0 : i32
    %dma_start3A_199 = tpu.memref_slice %arg9[%dma_start3A_196, %dma_start3A_197, %dma_start3A_198] : memref<8x32x128xf32, #tpu.memory_space<vmem>> -> memref<1x32x128xf32, #tpu.memory_space<vmem>>
    %dma_start3A_200 = tpu.memref_squeeze %dma_start3A_199 : memref<1x32x128xf32, #tpu.memory_space<vmem>> -> memref<32x128xf32, #tpu.memory_space<vmem>>
    %dma_start3A_201 = arith.constant 0 : i32
    %dma_start3A_202 = tpu.memref_slice %arg4[%dma_start3A_201, %multiple_of3A_190] : memref<32x1000000xf32, #tpu.memory_space<hbm>> -> memref<32x128xf32, #tpu.memory_space<hbm>>
    %dma_start3A_203 = arith.constant 0 : i32
    %dma_start3A_204 = arith.constant 0 : i32
    %dma_start3A_205 = tpu.memref_slice %arg9[%dma_start3A_196, %dma_start3A_203, %dma_start3A_204] : memref<8x32x128xf32, #tpu.memory_space<vmem>> -> memref<1x32x128xf32, #tpu.memory_space<vmem>>
    %dma_start3A_206 = tpu.memref_squeeze %dma_start3A_205 : memref<1x32x128xf32, #tpu.memory_space<vmem>> -> memref<32x128xf32, #tpu.memory_space<vmem>>
    %dma_start3A_207 = arith.constant 0 : i32
    %dma_start3A_208 = tpu.memref_slice %arg4[%dma_start3A_207, %multiple_of3A_190] : memref<32x1000000xf32, #tpu.memory_space<hbm>> -> memref<32x128xf32, #tpu.memory_space<hbm>>
    tpu.enqueue_dma source(%dma_start3A_208 : memref<32x128xf32, #tpu.memory_space<hbm>>) target(%dma_start3A_206 : memref<32x128xf32, #tpu.memory_space<vmem>>) target_semaphore(%arg16 : memref<!tpu.dma_semaphore, #tpu.memory_space<semaphore_mem>>)
    %dma_start3A_209 = arith.constant 4 : i32
    %dma_start3A_210 = arith.constant 0 : i32
    %dma_start3A_211 = arith.constant 0 : i32
    %dma_start3A_212 = tpu.memref_slice %arg10[%dma_start3A_209, %dma_start3A_210, %dma_start3A_211] : memref<8x32x128xf32, #tpu.memory_space<vmem>> -> memref<1x32x128xf32, #tpu.memory_space<vmem>>
    %dma_start3A_213 = tpu.memref_squeeze %dma_start3A_212 : memref<1x32x128xf32, #tpu.memory_space<vmem>> -> memref<32x128xf32, #tpu.memory_space<vmem>>
    %dma_start3A_214 = arith.constant 0 : i32
    %dma_start3A_215 = tpu.memref_slice %arg5[%dma_start3A_214, %multiple_of3A_195] : memref<32x1000000xf32, #tpu.memory_space<hbm>> -> memref<32x128xf32, #tpu.memory_space<hbm>>
    %dma_start3A_216 = arith.constant 0 : i32
    %dma_start3A_217 = arith.constant 0 : i32
    %dma_start3A_218 = tpu.memref_slice %arg10[%dma_start3A_209, %dma_start3A_216, %dma_start3A_217] : memref<8x32x128xf32, #tpu.memory_space<vmem>> -> memref<1x32x128xf32, #tpu.memory_space<vmem>>
    %dma_start3A_219 = tpu.memref_squeeze %dma_start3A_218 : memref<1x32x128xf32, #tpu.memory_space<vmem>> -> memref<32x128xf32, #tpu.memory_space<vmem>>
    %dma_start3A_220 = arith.constant 0 : i32
    %dma_start3A_221 = tpu.memref_slice %arg5[%dma_start3A_220, %multiple_of3A_195] : memref<32x1000000xf32, #tpu.memory_space<hbm>> -> memref<32x128xf32, #tpu.memory_space<hbm>>
    tpu.enqueue_dma source(%dma_start3A_221 : memref<32x128xf32, #tpu.memory_space<hbm>>) target(%dma_start3A_219 : memref<32x128xf32, #tpu.memory_space<vmem>>) target_semaphore(%arg24 : memref<!tpu.dma_semaphore, #tpu.memory_space<semaphore_mem>>)
    %get3A_222 = arith.constant 5 : index
    %get3A_223 = tpu.vector_load %arg7[%get3A_222] {strides = array<i32>} : memref<528xi32, #tpu.memory_space<vmem>>, vector<16xi32>,
    %slice3A_224 = vector.extract_strided_slice %get3A_223 {offsets = [0], sizes = [1], strides = [1]} : vector<16xi32> to vector<1xi32>
    %squeeze3A_225 = vector.extract %slice3A_224[0] : i32 from vector<1xi32>
    %get3A_226 = arith.constant 5 : index
    %get3A_227 = tpu.vector_load %arg8[%get3A_226] {strides = array<i32>} : memref<528xi32, #tpu.memory_space<vmem>>, vector<16xi32>,
    %slice3A_228 = vector.extract_strided_slice %get3A_227 {offsets = [0], sizes = [1], strides = [1]} : vector<16xi32> to vector<1xi32>
    %squeeze3A_229 = vector.extract %slice3A_228[0] : i32 from vector<1xi32>
    %shift_right_arithmetic3A_230 = arith.constant 7 : i32
    %shift_right_arithmetic3A_231 = arith.shrsi %squeeze3A_225, %shift_right_arithmetic3A_230 : i32
    %mul3A_232 = arith.constant 128 : i32
    %mul3A_233 = arith.muli %shift_right_arithmetic3A_231, %mul3A_232 : i32
    %multiple_of3A_234 = tpu.assume_multiple %mul3A_233, 128 : i32
    %shift_right_arithmetic3A_235 = arith.constant 7 : i32
    %shift_right_arithmetic3A_236 = arith.shrsi %squeeze3A_229, %shift_right_arithmetic3A_235 : i32
    %mul3A_237 = arith.constant 128 : i32
    %mul3A_238 = arith.muli %shift_right_arithmetic3A_236, %mul3A_237 : i32
    %multiple_of3A_239 = tpu.assume_multiple %mul3A_238, 128 : i32
    %dma_start3A_240 = arith.constant 5 : i32
    %dma_start3A_241 = arith.constant 0 : i32
    %dma_start3A_242 = arith.constant 0 : i32
    %dma_start3A_243 = tpu.memref_slice %arg9[%dma_start3A_240, %dma_start3A_241, %dma_start3A_242] : memref<8x32x128xf32, #tpu.memory_space<vmem>> -> memref<1x32x128xf32, #tpu.memory_space<vmem>>
    %dma_start3A_244 = tpu.memref_squeeze %dma_start3A_243 : memref<1x32x128xf32, #tpu.memory_space<vmem>> -> memref<32x128xf32, #tpu.memory_space<vmem>>
    %dma_start3A_245 = arith.constant 0 : i32
    %dma_start3A_246 = tpu.memref_slice %arg4[%dma_start3A_245, %multiple_of3A_234] : memref<32x1000000xf32, #tpu.memory_space<hbm>> -> memref<32x128xf32, #tpu.memory_space<hbm>>
    %dma_start3A_247 = arith.constant 0 : i32
    %dma_start3A_248 = arith.constant 0 : i32
    %dma_start3A_249 = tpu.memref_slice %arg9[%dma_start3A_240, %dma_start3A_247, %dma_start3A_248] : memref<8x32x128xf32, #tpu.memory_space<vmem>> -> memref<1x32x128xf32, #tpu.memory_space<vmem>>
    %dma_start3A_250 = tpu.memref_squeeze %dma_start3A_249 : memref<1x32x128xf32, #tpu.memory_space<vmem>> -> memref<32x128xf32, #tpu.memory_space<vmem>>
    %dma_start3A_251 = arith.constant 0 : i32
    %dma_start3A_252 = tpu.memref_slice %arg4[%dma_start3A_251, %multiple_of3A_234] : memref<32x1000000xf32, #tpu.memory_space<hbm>> -> memref<32x128xf32, #tpu.memory_space<hbm>>
    tpu.enqueue_dma source(%dma_start3A_252 : memref<32x128xf32, #tpu.memory_space<hbm>>) target(%dma_start3A_250 : memref<32x128xf32, #tpu.memory_space<vmem>>) target_semaphore(%arg17 : memref<!tpu.dma_semaphore, #tpu.memory_space<semaphore_mem>>)
    %dma_start3A_253 = arith.constant 5 : i32
    %dma_start3A_254 = arith.constant 0 : i32
    %dma_start3A_255 = arith.constant 0 : i32
    %dma_start3A_256 = tpu.memref_slice %arg10[%dma_start3A_253, %dma_start3A_254, %dma_start3A_255] : memref<8x32x128xf32, #tpu.memory_space<vmem>> -> memref<1x32x128xf32, #tpu.memory_space<vmem>>
    %dma_start3A_257 = tpu.memref_squeeze %dma_start3A_256 : memref<1x32x128xf32, #tpu.memory_space<vmem>> -> memref<32x128xf32, #tpu.memory_space<vmem>>
    %dma_start3A_258 = arith.constant 0 : i32
    %dma_start3A_259 = tpu.memref_slice %arg5[%dma_start3A_258, %multiple_of3A_239] : memref<32x1000000xf32, #tpu.memory_space<hbm>> -> memref<32x128xf32, #tpu.memory_space<hbm>>
    %dma_start3A_260 = arith.constant 0 : i32
    %dma_start3A_261 = arith.constant 0 : i32
    %dma_start3A_262 = tpu.memref_slice %arg10[%dma_start3A_253, %dma_start3A_260, %dma_start3A_261] : memref<8x32x128xf32, #tpu.memory_space<vmem>> -> memref<1x32x128xf32, #tpu.memory_space<vmem>>
    %dma_start3A_263 = tpu.memref_squeeze %dma_start3A_262 : memref<1x32x128xf32, #tpu.memory_space<vmem>> -> memref<32x128xf32, #tpu.memory_space<vmem>>
    %dma_start3A_264 = arith.constant 0 : i32
    %dma_start3A_265 = tpu.memref_slice %arg5[%dma_start3A_264, %multiple_of3A_239] : memref<32x1000000xf32, #tpu.memory_space<hbm>> -> memref<32x128xf32, #tpu.memory_space<hbm>>
    tpu.enqueue_dma source(%dma_start3A_265 : memref<32x128xf32, #tpu.memory_space<hbm>>) target(%dma_start3A_263 : memref<32x128xf32, #tpu.memory_space<vmem>>) target_semaphore(%arg25 : memref<!tpu.dma_semaphore, #tpu.memory_space<semaphore_mem>>)
    %get3A_266 = arith.constant 6 : index
    %get3A_267 = tpu.vector_load %arg7[%get3A_266] {strides = array<i32>} : memref<528xi32, #tpu.memory_space<vmem>>, vector<16xi32>,
    %slice3A_268 = vector.extract_strided_slice %get3A_267 {offsets = [0], sizes = [1], strides = [1]} : vector<16xi32> to vector<1xi32>
    %squeeze3A_269 = vector.extract %slice3A_268[0] : i32 from vector<1xi32>
    %get3A_270 = arith.constant 6 : index
    %get3A_271 = tpu.vector_load %arg8[%get3A_270] {strides = array<i32>} : memref<528xi32, #tpu.memory_space<vmem>>, vector<16xi32>,
    %slice3A_272 = vector.extract_strided_slice %get3A_271 {offsets = [0], sizes = [1], strides = [1]} : vector<16xi32> to vector<1xi32>
    %squeeze3A_273 = vector.extract %slice3A_272[0] : i32 from vector<1xi32>
    %shift_right_arithmetic3A_274 = arith.constant 7 : i32
    %shift_right_arithmetic3A_275 = arith.shrsi %squeeze3A_269, %shift_right_arithmetic3A_274 : i32
    %mul3A_276 = arith.constant 128 : i32
    %mul3A_277 = arith.muli %shift_right_arithmetic3A_275, %mul3A_276 : i32
    %multiple_of3A_278 = tpu.assume_multiple %mul3A_277, 128 : i32
    %shift_right_arithmetic3A_279 = arith.constant 7 : i32
    %shift_right_arithmetic3A_280 = arith.shrsi %squeeze3A_273, %shift_right_arithmetic3A_279 : i32
    %mul3A_281 = arith.constant 128 : i32
    %mul3A_282 = arith.muli %shift_right_arithmetic3A_280, %mul3A_281 : i32
    %multiple_of3A_283 = tpu.assume_multiple %mul3A_282, 128 : i32
    %dma_start3A_284 = arith.constant 6 : i32
    %dma_start3A_285 = arith.constant 0 : i32
    %dma_start3A_286 = arith.constant 0 : i32
    %dma_start3A_287 = tpu.memref_slice %arg9[%dma_start3A_284, %dma_start3A_285, %dma_start3A_286] : memref<8x32x128xf32, #tpu.memory_space<vmem>> -> memref<1x32x128xf32, #tpu.memory_space<vmem>>
    %dma_start3A_288 = tpu.memref_squeeze %dma_start3A_287 : memref<1x32x128xf32, #tpu.memory_space<vmem>> -> memref<32x128xf32, #tpu.memory_space<vmem>>
    %dma_start3A_289 = arith.constant 0 : i32
    %dma_start3A_290 = tpu.memref_slice %arg4[%dma_start3A_289, %multiple_of3A_278] : memref<32x1000000xf32, #tpu.memory_space<hbm>> -> memref<32x128xf32, #tpu.memory_space<hbm>>
    %dma_start3A_291 = arith.constant 0 : i32
    %dma_start3A_292 = arith.constant 0 : i32
    %dma_start3A_293 = tpu.memref_slice %arg9[%dma_start3A_284, %dma_start3A_291, %dma_start3A_292] : memref<8x32x128xf32, #tpu.memory_space<vmem>> -> memref<1x32x128xf32, #tpu.memory_space<vmem>>
    %dma_start3A_294 = tpu.memref_squeeze %dma_start3A_293 : memref<1x32x128xf32, #tpu.memory_space<vmem>> -> memref<32x128xf32, #tpu.memory_space<vmem>>
    %dma_start3A_295 = arith.constant 0 : i32
    %dma_start3A_296 = tpu.memref_slice %arg4[%dma_start3A_295, %multiple_of3A_278] : memref<32x1000000xf32, #tpu.memory_space<hbm>> -> memref<32x128xf32, #tpu.memory_space<hbm>>
    tpu.enqueue_dma source(%dma_start3A_296 : memref<32x128xf32, #tpu.memory_space<hbm>>) target(%dma_start3A_294 : memref<32x128xf32, #tpu.memory_space<vmem>>) target_semaphore(%arg18 : memref<!tpu.dma_semaphore, #tpu.memory_space<semaphore_mem>>)
    %dma_start3A_297 = arith.constant 6 : i32
    %dma_start3A_298 = arith.constant 0 : i32
    %dma_start3A_299 = arith.constant 0 : i32
    %dma_start3A_300 = tpu.memref_slice %arg10[%dma_start3A_297, %dma_start3A_298, %dma_start3A_299] : memref<8x32x128xf32, #tpu.memory_space<vmem>> -> memref<1x32x128xf32, #tpu.memory_space<vmem>>
    %dma_start3A_301 = tpu.memref_squeeze %dma_start3A_300 : memref<1x32x128xf32, #tpu.memory_space<vmem>> -> memref<32x128xf32, #tpu.memory_space<vmem>>
    %dma_start3A_302 = arith.constant 0 : i32
    %dma_start3A_303 = tpu.memref_slice %arg5[%dma_start3A_302, %multiple_of3A_283] : memref<32x1000000xf32, #tpu.memory_space<hbm>> -> memref<32x128xf32, #tpu.memory_space<hbm>>
    %dma_start3A_304 = arith.constant 0 : i32
    %dma_start3A_305 = arith.constant 0 : i32
    %dma_start3A_306 = tpu.memref_slice %arg10[%dma_start3A_297, %dma_start3A_304, %dma_start3A_305] : memref<8x32x128xf32, #tpu.memory_space<vmem>> -> memref<1x32x128xf32, #tpu.memory_space<vmem>>
    %dma_start3A_307 = tpu.memref_squeeze %dma_start3A_306 : memref<1x32x128xf32, #tpu.memory_space<vmem>> -> memref<32x128xf32, #tpu.memory_space<vmem>>
    %dma_start3A_308 = arith.constant 0 : i32
    %dma_start3A_309 = tpu.memref_slice %arg5[%dma_start3A_308, %multiple_of3A_283] : memref<32x1000000xf32, #tpu.memory_space<hbm>> -> memref<32x128xf32, #tpu.memory_space<hbm>>
    tpu.enqueue_dma source(%dma_start3A_309 : memref<32x128xf32, #tpu.memory_space<hbm>>) target(%dma_start3A_307 : memref<32x128xf32, #tpu.memory_space<vmem>>) target_semaphore(%arg26 : memref<!tpu.dma_semaphore, #tpu.memory_space<semaphore_mem>>)
    %get3A_310 = arith.constant 7 : index
    %get3A_311 = tpu.vector_load %arg7[%get3A_310] {strides = array<i32>} : memref<528xi32, #tpu.memory_space<vmem>>, vector<16xi32>,
    %slice3A_312 = vector.extract_strided_slice %get3A_311 {offsets = [0], sizes = [1], strides = [1]} : vector<16xi32> to vector<1xi32>
    %squeeze3A_313 = vector.extract %slice3A_312[0] : i32 from vector<1xi32>
    %get3A_314 = arith.constant 7 : index
    %get3A_315 = tpu.vector_load %arg8[%get3A_314] {strides = array<i32>} : memref<528xi32, #tpu.memory_space<vmem>>, vector<16xi32>,
    %slice3A_316 = vector.extract_strided_slice %get3A_315 {offsets = [0], sizes = [1], strides = [1]} : vector<16xi32> to vector<1xi32>
    %squeeze3A_317 = vector.extract %slice3A_316[0] : i32 from vector<1xi32>
    %shift_right_arithmetic3A_318 = arith.constant 7 : i32
    %shift_right_arithmetic3A_319 = arith.shrsi %squeeze3A_313, %shift_right_arithmetic3A_318 : i32
    %mul3A_320 = arith.constant 128 : i32
    %mul3A_321 = arith.muli %shift_right_arithmetic3A_319, %mul3A_320 : i32
    %multiple_of3A_322 = tpu.assume_multiple %mul3A_321, 128 : i32
    %shift_right_arithmetic3A_323 = arith.constant 7 : i32
    %shift_right_arithmetic3A_324 = arith.shrsi %squeeze3A_317, %shift_right_arithmetic3A_323 : i32
    %mul3A_325 = arith.constant 128 : i32
    %mul3A_326 = arith.muli %shift_right_arithmetic3A_324, %mul3A_325 : i32
    %multiple_of3A_327 = tpu.assume_multiple %mul3A_326, 128 : i32
    %dma_start3A_328 = arith.constant 7 : i32
    %dma_start3A_329 = arith.constant 0 : i32
    %dma_start3A_330 = arith.constant 0 : i32
    %dma_start3A_331 = tpu.memref_slice %arg9[%dma_start3A_328, %dma_start3A_329, %dma_start3A_330] : memref<8x32x128xf32, #tpu.memory_space<vmem>> -> memref<1x32x128xf32, #tpu.memory_space<vmem>>
    %dma_start3A_332 = tpu.memref_squeeze %dma_start3A_331 : memref<1x32x128xf32, #tpu.memory_space<vmem>> -> memref<32x128xf32, #tpu.memory_space<vmem>>
    %dma_start3A_333 = arith.constant 0 : i32
    %dma_start3A_334 = tpu.memref_slice %arg4[%dma_start3A_333, %multiple_of3A_322] : memref<32x1000000xf32, #tpu.memory_space<hbm>> -> memref<32x128xf32, #tpu.memory_space<hbm>>
    %dma_start3A_335 = arith.constant 0 : i32
    %dma_start3A_336 = arith.constant 0 : i32
    %dma_start3A_337 = tpu.memref_slice %arg9[%dma_start3A_328, %dma_start3A_335, %dma_start3A_336] : memref<8x32x128xf32, #tpu.memory_space<vmem>> -> memref<1x32x128xf32, #tpu.memory_space<vmem>>
    %dma_start3A_338 = tpu.memref_squeeze %dma_start3A_337 : memref<1x32x128xf32, #tpu.memory_space<vmem>> -> memref<32x128xf32, #tpu.memory_space<vmem>>
    %dma_start3A_339 = arith.constant 0 : i32
    %dma_start3A_340 = tpu.memref_slice %arg4[%dma_start3A_339, %multiple_of3A_322] : memref<32x1000000xf32, #tpu.memory_space<hbm>> -> memref<32x128xf32, #tpu.memory_space<hbm>>
    tpu.enqueue_dma source(%dma_start3A_340 : memref<32x128xf32, #tpu.memory_space<hbm>>) target(%dma_start3A_338 : memref<32x128xf32, #tpu.memory_space<vmem>>) target_semaphore(%arg19 : memref<!tpu.dma_semaphore, #tpu.memory_space<semaphore_mem>>)
    %dma_start3A_341 = arith.constant 7 : i32
    %dma_start3A_342 = arith.constant 0 : i32
    %dma_start3A_343 = arith.constant 0 : i32
    %dma_start3A_344 = tpu.memref_slice %arg10[%dma_start3A_341, %dma_start3A_342, %dma_start3A_343] : memref<8x32x128xf32, #tpu.memory_space<vmem>> -> memref<1x32x128xf32, #tpu.memory_space<vmem>>
    %dma_start3A_345 = tpu.memref_squeeze %dma_start3A_344 : memref<1x32x128xf32, #tpu.memory_space<vmem>> -> memref<32x128xf32, #tpu.memory_space<vmem>>
    %dma_start3A_346 = arith.constant 0 : i32
    %dma_start3A_347 = tpu.memref_slice %arg5[%dma_start3A_346, %multiple_of3A_327] : memref<32x1000000xf32, #tpu.memory_space<hbm>> -> memref<32x128xf32, #tpu.memory_space<hbm>>
    %dma_start3A_348 = arith.constant 0 : i32
    %dma_start3A_349 = arith.constant 0 : i32
    %dma_start3A_350 = tpu.memref_slice %arg10[%dma_start3A_341, %dma_start3A_348, %dma_start3A_349] : memref<8x32x128xf32, #tpu.memory_space<vmem>> -> memref<1x32x128xf32, #tpu.memory_space<vmem>>
    %dma_start3A_351 = tpu.memref_squeeze %dma_start3A_350 : memref<1x32x128xf32, #tpu.memory_space<vmem>> -> memref<32x128xf32, #tpu.memory_space<vmem>>
    %dma_start3A_352 = arith.constant 0 : i32
    %dma_start3A_353 = tpu.memref_slice %arg5[%dma_start3A_352, %multiple_of3A_327] : memref<32x1000000xf32, #tpu.memory_space<hbm>> -> memref<32x128xf32, #tpu.memory_space<hbm>>
    tpu.enqueue_dma source(%dma_start3A_353 : memref<32x128xf32, #tpu.memory_space<hbm>>) target(%dma_start3A_351 : memref<32x128xf32, #tpu.memory_space<vmem>>) target_semaphore(%arg27 : memref<!tpu.dma_semaphore, #tpu.memory_space<semaphore_mem>>)
    %scan3A = arith.constant 0 : i32
    %scan3A_354 = arith.constant 0 : i32
    %scan3A_355 = arith.constant 64 : i32
    %scan3A_356 = arith.addi %scan3A_354, %scan3A_355 : i32
    %scan3A_357 = arith.constant 1 : i32
    %scan3A_358 = scf.for %scan3A_360 = %scan3A_354 to %scan3A_356 step %scan3A_357 iter_args(%scan3A_361 = %scan3A) -> (i32)  : i32 {
      %mul3A_362 = arith.constant 8 : i32
      %mul3A_363 = arith.muli %scan3A_360, %mul3A_362 : i32
      %add3A_364 = arith.constant 0 : i32
      %add3A_365 = arith.addi %mul3A_363, %add3A_364 : i32
      %dma_wait3A = arith.constant 0 : i32
      %dma_wait3A_366 = arith.constant 0 : i32
      %dma_wait3A_367 = arith.constant 0 : i32
      %dma_wait3A_368 = tpu.memref_slice %arg9[%dma_wait3A, %dma_wait3A_366, %dma_wait3A_367] : memref<8x32x128xf32, #tpu.memory_space<vmem>> -> memref<1x32x128xf32, #tpu.memory_space<vmem>>
      %dma_wait3A_369 = tpu.memref_squeeze %dma_wait3A_368 : memref<1x32x128xf32, #tpu.memory_space<vmem>> -> memref<32x128xf32, #tpu.memory_space<vmem>>
      %dma_wait3A_370 = arith.constant 0 : i32
      %dma_wait3A_371 = arith.constant 0 : i32
      %dma_wait3A_372 = tpu.memref_slice %arg4[%dma_wait3A_370, %dma_wait3A_371] : memref<32x1000000xf32, #tpu.memory_space<hbm>> -> memref<32x128xf32, #tpu.memory_space<hbm>>
      %dma_wait3A_373 = arith.constant 0 : i32
      %dma_wait3A_374 = arith.constant 0 : i32
      %dma_wait3A_375 = tpu.memref_slice %arg9[%dma_wait3A, %dma_wait3A_373, %dma_wait3A_374] : memref<8x32x128xf32, #tpu.memory_space<vmem>> -> memref<1x32x128xf32, #tpu.memory_space<vmem>>
      %dma_wait3A_376 = tpu.memref_squeeze %dma_wait3A_375 : memref<1x32x128xf32, #tpu.memory_space<vmem>> -> memref<32x128xf32, #tpu.memory_space<vmem>>
      %dma_wait3A_377 = arith.constant 0 : i32
      %dma_wait3A_378 = arith.constant 0 : i32
      %dma_wait3A_379 = tpu.memref_slice %arg4[%dma_wait3A_377, %dma_wait3A_378] : memref<32x1000000xf32, #tpu.memory_space<hbm>> -> memref<32x128xf32, #tpu.memory_space<hbm>>
      tpu.wait_dma2 semaphore(%arg12 : memref<!tpu.dma_semaphore, #tpu.memory_space<semaphore_mem>>) src(%dma_wait3A_379 : memref<32x128xf32, #tpu.memory_space<hbm>>) dst(%dma_wait3A_376 : memref<32x128xf32, #tpu.memory_space<vmem>>)
      %dma_wait3A_380 = arith.constant 0 : i32
      %dma_wait3A_381 = arith.constant 0 : i32
      %dma_wait3A_382 = arith.constant 0 : i32
      %dma_wait3A_383 = tpu.memref_slice %arg10[%dma_wait3A_380, %dma_wait3A_381, %dma_wait3A_382] : memref<8x32x128xf32, #tpu.memory_space<vmem>> -> memref<1x32x128xf32, #tpu.memory_space<vmem>>
      %dma_wait3A_384 = tpu.memref_squeeze %dma_wait3A_383 : memref<1x32x128xf32, #tpu.memory_space<vmem>> -> memref<32x128xf32, #tpu.memory_space<vmem>>
      %dma_wait3A_385 = arith.constant 0 : i32
      %dma_wait3A_386 = arith.constant 0 : i32
      %dma_wait3A_387 = tpu.memref_slice %arg5[%dma_wait3A_385, %dma_wait3A_386] : memref<32x1000000xf32, #tpu.memory_space<hbm>> -> memref<32x128xf32, #tpu.memory_space<hbm>>
      %dma_wait3A_388 = arith.constant 0 : i32
      %dma_wait3A_389 = arith.constant 0 : i32
      %dma_wait3A_390 = tpu.memref_slice %arg10[%dma_wait3A_380, %dma_wait3A_388, %dma_wait3A_389] : memref<8x32x128xf32, #tpu.memory_space<vmem>> -> memref<1x32x128xf32, #tpu.memory_space<vmem>>
      %dma_wait3A_391 = tpu.memref_squeeze %dma_wait3A_390 : memref<1x32x128xf32, #tpu.memory_space<vmem>> -> memref<32x128xf32, #tpu.memory_space<vmem>>
      %dma_wait3A_392 = arith.constant 0 : i32
      %dma_wait3A_393 = arith.constant 0 : i32
      %dma_wait3A_394 = tpu.memref_slice %arg5[%dma_wait3A_392, %dma_wait3A_393] : memref<32x1000000xf32, #tpu.memory_space<hbm>> -> memref<32x128xf32, #tpu.memory_space<hbm>>
      tpu.wait_dma2 semaphore(%arg20 : memref<!tpu.dma_semaphore, #tpu.memory_space<semaphore_mem>>) src(%dma_wait3A_394 : memref<32x128xf32, #tpu.memory_space<hbm>>) dst(%dma_wait3A_391 : memref<32x128xf32, #tpu.memory_space<vmem>>)
      %get3A_395 = arith.index_cast %add3A_365 : i32 to index
      %get3A_396 = tpu.vector_load %arg7[%get3A_395] {strides = array<i32>} : memref<528xi32, #tpu.memory_space<vmem>>, vector<16xi32>,
      %slice3A_397 = vector.extract_strided_slice %get3A_396 {offsets = [0], sizes = [1], strides = [1]} : vector<16xi32> to vector<1xi32>
      %squeeze3A_398 = vector.extract %slice3A_397[0] : i32 from vector<1xi32>
      %and3A = arith.constant 127 : i32
      %and3A_399 = arith.andi %squeeze3A_398, %and3A : i32
      %broadcast_in_dim3A = vector.broadcast %and3A_399 : i32 to vector<16xi32>
      %get3A_400 = arith.index_cast %add3A_365 : i32 to index
      %get3A_401 = tpu.vector_load %arg8[%get3A_400] {strides = array<i32>} : memref<528xi32, #tpu.memory_space<vmem>>, vector<16xi32>,
      %slice3A_402 = vector.extract_strided_slice %get3A_401 {offsets = [0], sizes = [1], strides = [1]} : vector<16xi32> to vector<1xi32>
      %squeeze3A_403 = vector.extract %slice3A_402[0] : i32 from vector<1xi32>
      %and3A_404 = arith.constant 127 : i32
      %and3A_405 = arith.andi %squeeze3A_403, %and3A_404 : i32
      %broadcast_in_dim3A_406 = vector.broadcast %and3A_405 : i32 to vector<16xi32>
      %gather3A = arith.constant 0 : i32
      %gather3A_407 = arith.constant 0 : i32
      %gather3A_408 = arith.constant 0 : i32
      %gather3A_409 = tpu.memref_slice %arg9[%gather3A, %gather3A_407, %gather3A_408] : memref<8x32x128xf32, #tpu.memory_space<vmem>> -> memref<1x32x128xf32, #tpu.memory_space<vmem>>
      %gather3A_410 = tpu.memref_squeeze %gather3A_409 : memref<1x32x128xf32, #tpu.memory_space<vmem>> -> memref<32x128xf32, #tpu.memory_space<vmem>>
      %gather3A_411 = tpu.vector_load_idx %gather3A_410[%iota3A, %broadcast_in_dim3A] : memref<32x128xf32, #tpu.memory_space<vmem>>[vector<16xi32>, vector<16xi32>], vector<16xf32>,
      %gather3A_412 = arith.constant 0 : i32
      %gather3A_413 = arith.constant 0 : i32
      %gather3A_414 = arith.constant 0 : i32
      %gather3A_415 = tpu.memref_slice %arg10[%gather3A_412, %gather3A_413, %gather3A_414] : memref<8x32x128xf32, #tpu.memory_space<vmem>> -> memref<1x32x128xf32, #tpu.memory_space<vmem>>
      %gather3A_416 = tpu.memref_squeeze %gather3A_415 : memref<1x32x128xf32, #tpu.memory_space<vmem>> -> memref<32x128xf32, #tpu.memory_space<vmem>>
      %gather3A_417 = tpu.vector_load_idx %gather3A_416[%iota3A, %broadcast_in_dim3A_406] : memref<32x128xf32, #tpu.memory_space<vmem>>[vector<16xi32>, vector<16xi32>], vector<16xf32>,
      %mul3A_418 = arith.mulf %gather3A_411, %gather3A_417 : vector<16xf32>
      %gather3A_419 = arith.constant 0 : i32
      %gather3A_420 = arith.constant 0 : i32
      %gather3A_421 = arith.constant 0 : i32
      %gather3A_422 = tpu.memref_slice %arg9[%gather3A_419, %gather3A_420, %gather3A_421] : memref<8x32x128xf32, #tpu.memory_space<vmem>> -> memref<1x32x128xf32, #tpu.memory_space<vmem>>
      %gather3A_423 = tpu.memref_squeeze %gather3A_422 : memref<1x32x128xf32, #tpu.memory_space<vmem>> -> memref<32x128xf32, #tpu.memory_space<vmem>>
      %gather3A_424 = tpu.vector_load_idx %gather3A_423[%add3A_5, %broadcast_in_dim3A] : memref<32x128xf32, #tpu.memory_space<vmem>>[vector<16xi32>, vector<16xi32>], vector<16xf32>,
      %gather3A_425 = arith.constant 0 : i32
      %gather3A_426 = arith.constant 0 : i32
      %gather3A_427 = arith.constant 0 : i32
      %gather3A_428 = tpu.memref_slice %arg10[%gather3A_425, %gather3A_426, %gather3A_427] : memref<8x32x128xf32, #tpu.memory_space<vmem>> -> memref<1x32x128xf32, #tpu.memory_space<vmem>>
      %gather3A_429 = tpu.memref_squeeze %gather3A_428 : memref<1x32x128xf32, #tpu.memory_space<vmem>> -> memref<32x128xf32, #tpu.memory_space<vmem>>
      %gather3A_430 = tpu.vector_load_idx %gather3A_429[%add3A_5, %broadcast_in_dim3A_406] : memref<32x128xf32, #tpu.memory_space<vmem>>[vector<16xi32>, vector<16xi32>], vector<16xf32>,
      %mul3A_431 = arith.mulf %gather3A_424, %gather3A_430 : vector<16xf32>
      %add3A_432 = arith.addf %mul3A_418, %mul3A_431 : vector<16xf32>
      %broadcast_in_dim3A_433 = arith.constant true
      %broadcast_in_dim3A_434 = vector.broadcast %broadcast_in_dim3A_433 : i1 to vector<16xi1>
      %masked_cumsum3A = tpu.scan <sum>, %add3A_432 masked %broadcast_in_dim3A_434 : vector<16xf32>, vector<16xi1> -> vector<16xf32>
      %swap3A = arith.index_cast %add3A_365 : i32 to index
      %swap3A_435 = tpu.vector_load %arg11[%swap3A] masked %eq3A_7 {strides = array<i32>} : memref<528xf32, #tpu.memory_space<vmem>>, vector<16xf32>, vector<16xi1>
      tpu.vector_store %arg11[%swap3A], %masked_cumsum3A masked %eq3A_7 {strides = array<i32>} : memref<528xf32, #tpu.memory_space<vmem>>, vector<16xf32>, vector<16xi1>
      %add3A_436 = arith.constant 0 : i32
      %add3A_437 = arith.addi %mul3A_363, %add3A_436 : i32
      %add3A_438 = arith.constant 8 : i32
      %add3A_439 = arith.addi %add3A_437, %add3A_438 : i32
      %lt3A = arith.constant 512 : i32
      %lt3A_440 = arith.cmpi slt, %add3A_439, %lt3A : i32
      %convert_element_type3A = arith.extui %lt3A_440 : i1 to i32
      %cond3A = arith.constant 0 : i32
      %cond3A_441 = arith.cmpi ne, %convert_element_type3A, %cond3A : i32
      scf.if %cond3A_441 {
        %add3A_1052 = arith.constant 0 : i32
        %add3A_1053 = arith.addi %mul3A_363, %add3A_1052 : i32
        %add3A_1054 = arith.constant 8 : i32
        %add3A_1055 = arith.addi %add3A_1053, %add3A_1054 : i32
        %get3A_1056 = arith.index_cast %add3A_1055 : i32 to index
        %get3A_1057 = tpu.vector_load %arg7[%get3A_1056] {strides = array<i32>} : memref<528xi32, #tpu.memory_space<vmem>>, vector<16xi32>,
        %slice3A_1058 = vector.extract_strided_slice %get3A_1057 {offsets = [0], sizes = [1], strides = [1]} : vector<16xi32> to vector<1xi32>
        %squeeze3A_1059 = vector.extract %slice3A_1058[0] : i32 from vector<1xi32>
        %get3A_1060 = arith.index_cast %add3A_1055 : i32 to index
        %get3A_1061 = tpu.vector_load %arg8[%get3A_1060] {strides = array<i32>} : memref<528xi32, #tpu.memory_space<vmem>>, vector<16xi32>,
        %slice3A_1062 = vector.extract_strided_slice %get3A_1061 {offsets = [0], sizes = [1], strides = [1]} : vector<16xi32> to vector<1xi32>
        %squeeze3A_1063 = vector.extract %slice3A_1062[0] : i32 from vector<1xi32>
        %shift_right_arithmetic3A_1064 = arith.constant 7 : i32
        %shift_right_arithmetic3A_1065 = arith.shrsi %squeeze3A_1059, %shift_right_arithmetic3A_1064 : i32
        %mul3A_1066 = arith.constant 128 : i32
        %mul3A_1067 = arith.muli %shift_right_arithmetic3A_1065, %mul3A_1066 : i32
        %multiple_of3A_1068 = tpu.assume_multiple %mul3A_1067, 128 : i32
        %shift_right_arithmetic3A_1069 = arith.constant 7 : i32
        %shift_right_arithmetic3A_1070 = arith.shrsi %squeeze3A_1063, %shift_right_arithmetic3A_1069 : i32
        %mul3A_1071 = arith.constant 128 : i32
        %mul3A_1072 = arith.muli %shift_right_arithmetic3A_1070, %mul3A_1071 : i32
        %multiple_of3A_1073 = tpu.assume_multiple %mul3A_1072, 128 : i32
        %dma_start3A_1074 = arith.constant 0 : i32
        %dma_start3A_1075 = arith.constant 0 : i32
        %dma_start3A_1076 = arith.constant 0 : i32
        %dma_start3A_1077 = tpu.memref_slice %arg9[%dma_start3A_1074, %dma_start3A_1075, %dma_start3A_1076] : memref<8x32x128xf32, #tpu.memory_space<vmem>> -> memref<1x32x128xf32, #tpu.memory_space<vmem>>
        %dma_start3A_1078 = tpu.memref_squeeze %dma_start3A_1077 : memref<1x32x128xf32, #tpu.memory_space<vmem>> -> memref<32x128xf32, #tpu.memory_space<vmem>>
        %dma_start3A_1079 = arith.constant 0 : i32
        %dma_start3A_1080 = tpu.memref_slice %arg4[%dma_start3A_1079, %multiple_of3A_1068] : memref<32x1000000xf32, #tpu.memory_space<hbm>> -> memref<32x128xf32, #tpu.memory_space<hbm>>
        %dma_start3A_1081 = arith.constant 0 : i32
        %dma_start3A_1082 = arith.constant 0 : i32
        %dma_start3A_1083 = tpu.memref_slice %arg9[%dma_start3A_1074, %dma_start3A_1081, %dma_start3A_1082] : memref<8x32x128xf32, #tpu.memory_space<vmem>> -> memref<1x32x128xf32, #tpu.memory_space<vmem>>
        %dma_start3A_1084 = tpu.memref_squeeze %dma_start3A_1083 : memref<1x32x128xf32, #tpu.memory_space<vmem>> -> memref<32x128xf32, #tpu.memory_space<vmem>>
        %dma_start3A_1085 = arith.constant 0 : i32
        %dma_start3A_1086 = tpu.memref_slice %arg4[%dma_start3A_1085, %multiple_of3A_1068] : memref<32x1000000xf32, #tpu.memory_space<hbm>> -> memref<32x128xf32, #tpu.memory_space<hbm>>
        tpu.enqueue_dma source(%dma_start3A_1086 : memref<32x128xf32, #tpu.memory_space<hbm>>) target(%dma_start3A_1084 : memref<32x128xf32, #tpu.memory_space<vmem>>) target_semaphore(%arg12 : memref<!tpu.dma_semaphore, #tpu.memory_space<semaphore_mem>>)
        %dma_start3A_1087 = arith.constant 0 : i32
        %dma_start3A_1088 = arith.constant 0 : i32
        %dma_start3A_1089 = arith.constant 0 : i32
        %dma_start3A_1090 = tpu.memref_slice %arg10[%dma_start3A_1087, %dma_start3A_1088, %dma_start3A_1089] : memref<8x32x128xf32, #tpu.memory_space<vmem>> -> memref<1x32x128xf32, #tpu.memory_space<vmem>>
        %dma_start3A_1091 = tpu.memref_squeeze %dma_start3A_1090 : memref<1x32x128xf32, #tpu.memory_space<vmem>> -> memref<32x128xf32, #tpu.memory_space<vmem>>
        %dma_start3A_1092 = arith.constant 0 : i32
        %dma_start3A_1093 = tpu.memref_slice %arg5[%dma_start3A_1092, %multiple_of3A_1073] : memref<32x1000000xf32, #tpu.memory_space<hbm>> -> memref<32x128xf32, #tpu.memory_space<hbm>>
        %dma_start3A_1094 = arith.constant 0 : i32
        %dma_start3A_1095 = arith.constant 0 : i32
        %dma_start3A_1096 = tpu.memref_slice %arg10[%dma_start3A_1087, %dma_start3A_1094, %dma_start3A_1095] : memref<8x32x128xf32, #tpu.memory_space<vmem>> -> memref<1x32x128xf32, #tpu.memory_space<vmem>>
        %dma_start3A_1097 = tpu.memref_squeeze %dma_start3A_1096 : memref<1x32x128xf32, #tpu.memory_space<vmem>> -> memref<32x128xf32, #tpu.memory_space<vmem>>
        %dma_start3A_1098 = arith.constant 0 : i32
        %dma_start3A_1099 = tpu.memref_slice %arg5[%dma_start3A_1098, %multiple_of3A_1073] : memref<32x1000000xf32, #tpu.memory_space<hbm>> -> memref<32x128xf32, #tpu.memory_space<hbm>>
        tpu.enqueue_dma source(%dma_start3A_1099 : memref<32x128xf32, #tpu.memory_space<hbm>>) target(%dma_start3A_1097 : memref<32x128xf32, #tpu.memory_space<vmem>>) target_semaphore(%arg20 : memref<!tpu.dma_semaphore, #tpu.memory_space<semaphore_mem>>)
      } else {
      }
      %add3A_442 = arith.constant 1 : i32
      %add3A_443 = arith.addi %mul3A_363, %add3A_442 : i32
      %dma_wait3A_444 = arith.constant 1 : i32
      %dma_wait3A_445 = arith.constant 0 : i32
      %dma_wait3A_446 = arith.constant 0 : i32
      %dma_wait3A_447 = tpu.memref_slice %arg9[%dma_wait3A_444, %dma_wait3A_445, %dma_wait3A_446] : memref<8x32x128xf32, #tpu.memory_space<vmem>> -> memref<1x32x128xf32, #tpu.memory_space<vmem>>
      %dma_wait3A_448 = tpu.memref_squeeze %dma_wait3A_447 : memref<1x32x128xf32, #tpu.memory_space<vmem>> -> memref<32x128xf32, #tpu.memory_space<vmem>>
      %dma_wait3A_449 = arith.constant 0 : i32
      %dma_wait3A_450 = arith.constant 0 : i32
      %dma_wait3A_451 = tpu.memref_slice %arg4[%dma_wait3A_449, %dma_wait3A_450] : memref<32x1000000xf32, #tpu.memory_space<hbm>> -> memref<32x128xf32, #tpu.memory_space<hbm>>
      %dma_wait3A_452 = arith.constant 0 : i32
      %dma_wait3A_453 = arith.constant 0 : i32
      %dma_wait3A_454 = tpu.memref_slice %arg9[%dma_wait3A_444, %dma_wait3A_452, %dma_wait3A_453] : memref<8x32x128xf32, #tpu.memory_space<vmem>> -> memref<1x32x128xf32, #tpu.memory_space<vmem>>
      %dma_wait3A_455 = tpu.memref_squeeze %dma_wait3A_454 : memref<1x32x128xf32, #tpu.memory_space<vmem>> -> memref<32x128xf32, #tpu.memory_space<vmem>>
      %dma_wait3A_456 = arith.constant 0 : i32
      %dma_wait3A_457 = arith.constant 0 : i32
      %dma_wait3A_458 = tpu.memref_slice %arg4[%dma_wait3A_456, %dma_wait3A_457] : memref<32x1000000xf32, #tpu.memory_space<hbm>> -> memref<32x128xf32, #tpu.memory_space<hbm>>
      tpu.wait_dma2 semaphore(%arg13 : memref<!tpu.dma_semaphore, #tpu.memory_space<semaphore_mem>>) src(%dma_wait3A_458 : memref<32x128xf32, #tpu.memory_space<hbm>>) dst(%dma_wait3A_455 : memref<32x128xf32, #tpu.memory_space<vmem>>)
      %dma_wait3A_459 = arith.constant 1 : i32
      %dma_wait3A_460 = arith.constant 0 : i32
      %dma_wait3A_461 = arith.constant 0 : i32
      %dma_wait3A_462 = tpu.memref_slice %arg10[%dma_wait3A_459, %dma_wait3A_460, %dma_wait3A_461] : memref<8x32x128xf32, #tpu.memory_space<vmem>> -> memref<1x32x128xf32, #tpu.memory_space<vmem>>
      %dma_wait3A_463 = tpu.memref_squeeze %dma_wait3A_462 : memref<1x32x128xf32, #tpu.memory_space<vmem>> -> memref<32x128xf32, #tpu.memory_space<vmem>>
      %dma_wait3A_464 = arith.constant 0 : i32
      %dma_wait3A_465 = arith.constant 0 : i32
      %dma_wait3A_466 = tpu.memref_slice %arg5[%dma_wait3A_464, %dma_wait3A_465] : memref<32x1000000xf32, #tpu.memory_space<hbm>> -> memref<32x128xf32, #tpu.memory_space<hbm>>
      %dma_wait3A_467 = arith.constant 0 : i32
      %dma_wait3A_468 = arith.constant 0 : i32
      %dma_wait3A_469 = tpu.memref_slice %arg10[%dma_wait3A_459, %dma_wait3A_467, %dma_wait3A_468] : memref<8x32x128xf32, #tpu.memory_space<vmem>> -> memref<1x32x128xf32, #tpu.memory_space<vmem>>
      %dma_wait3A_470 = tpu.memref_squeeze %dma_wait3A_469 : memref<1x32x128xf32, #tpu.memory_space<vmem>> -> memref<32x128xf32, #tpu.memory_space<vmem>>
      %dma_wait3A_471 = arith.constant 0 : i32
      %dma_wait3A_472 = arith.constant 0 : i32
      %dma_wait3A_473 = tpu.memref_slice %arg5[%dma_wait3A_471, %dma_wait3A_472] : memref<32x1000000xf32, #tpu.memory_space<hbm>> -> memref<32x128xf32, #tpu.memory_space<hbm>>
      tpu.wait_dma2 semaphore(%arg21 : memref<!tpu.dma_semaphore, #tpu.memory_space<semaphore_mem>>) src(%dma_wait3A_473 : memref<32x128xf32, #tpu.memory_space<hbm>>) dst(%dma_wait3A_470 : memref<32x128xf32, #tpu.memory_space<vmem>>)
      %get3A_474 = arith.index_cast %add3A_443 : i32 to index
      %get3A_475 = tpu.vector_load %arg7[%get3A_474] {strides = array<i32>} : memref<528xi32, #tpu.memory_space<vmem>>, vector<16xi32>,
      %slice3A_476 = vector.extract_strided_slice %get3A_475 {offsets = [0], sizes = [1], strides = [1]} : vector<16xi32> to vector<1xi32>
      %squeeze3A_477 = vector.extract %slice3A_476[0] : i32 from vector<1xi32>
      %and3A_478 = arith.constant 127 : i32
      %and3A_479 = arith.andi %squeeze3A_477, %and3A_478 : i32
      %broadcast_in_dim3A_480 = vector.broadcast %and3A_479 : i32 to vector<16xi32>
      %get3A_481 = arith.index_cast %add3A_443 : i32 to index
      %get3A_482 = tpu.vector_load %arg8[%get3A_481] {strides = array<i32>} : memref<528xi32, #tpu.memory_space<vmem>>, vector<16xi32>,
      %slice3A_483 = vector.extract_strided_slice %get3A_482 {offsets = [0], sizes = [1], strides = [1]} : vector<16xi32> to vector<1xi32>
      %squeeze3A_484 = vector.extract %slice3A_483[0] : i32 from vector<1xi32>
      %and3A_485 = arith.constant 127 : i32
      %and3A_486 = arith.andi %squeeze3A_484, %and3A_485 : i32
      %broadcast_in_dim3A_487 = vector.broadcast %and3A_486 : i32 to vector<16xi32>
      %gather3A_488 = arith.constant 1 : i32
      %gather3A_489 = arith.constant 0 : i32
      %gather3A_490 = arith.constant 0 : i32
      %gather3A_491 = tpu.memref_slice %arg9[%gather3A_488, %gather3A_489, %gather3A_490] : memref<8x32x128xf32, #tpu.memory_space<vmem>> -> memref<1x32x128xf32, #tpu.memory_space<vmem>>
      %gather3A_492 = tpu.memref_squeeze %gather3A_491 : memref<1x32x128xf32, #tpu.memory_space<vmem>> -> memref<32x128xf32, #tpu.memory_space<vmem>>
      %gather3A_493 = tpu.vector_load_idx %gather3A_492[%iota3A, %broadcast_in_dim3A_480] : memref<32x128xf32, #tpu.memory_space<vmem>>[vector<16xi32>, vector<16xi32>], vector<16xf32>,
      %gather3A_494 = arith.constant 1 : i32
      %gather3A_495 = arith.constant 0 : i32
      %gather3A_496 = arith.constant 0 : i32
      %gather3A_497 = tpu.memref_slice %arg10[%gather3A_494, %gather3A_495, %gather3A_496] : memref<8x32x128xf32, #tpu.memory_space<vmem>> -> memref<1x32x128xf32, #tpu.memory_space<vmem>>
      %gather3A_498 = tpu.memref_squeeze %gather3A_497 : memref<1x32x128xf32, #tpu.memory_space<vmem>> -> memref<32x128xf32, #tpu.memory_space<vmem>>
      %gather3A_499 = tpu.vector_load_idx %gather3A_498[%iota3A, %broadcast_in_dim3A_487] : memref<32x128xf32, #tpu.memory_space<vmem>>[vector<16xi32>, vector<16xi32>], vector<16xf32>,
      %mul3A_500 = arith.mulf %gather3A_493, %gather3A_499 : vector<16xf32>
      %gather3A_501 = arith.constant 1 : i32
      %gather3A_502 = arith.constant 0 : i32
      %gather3A_503 = arith.constant 0 : i32
      %gather3A_504 = tpu.memref_slice %arg9[%gather3A_501, %gather3A_502, %gather3A_503] : memref<8x32x128xf32, #tpu.memory_space<vmem>> -> memref<1x32x128xf32, #tpu.memory_space<vmem>>
      %gather3A_505 = tpu.memref_squeeze %gather3A_504 : memref<1x32x128xf32, #tpu.memory_space<vmem>> -> memref<32x128xf32, #tpu.memory_space<vmem>>
      %gather3A_506 = tpu.vector_load_idx %gather3A_505[%add3A_5, %broadcast_in_dim3A_480] : memref<32x128xf32, #tpu.memory_space<vmem>>[vector<16xi32>, vector<16xi32>], vector<16xf32>,
      %gather3A_507 = arith.constant 1 : i32
      %gather3A_508 = arith.constant 0 : i32
      %gather3A_509 = arith.constant 0 : i32
      %gather3A_510 = tpu.memref_slice %arg10[%gather3A_507, %gather3A_508, %gather3A_509] : memref<8x32x128xf32, #tpu.memory_space<vmem>> -> memref<1x32x128xf32, #tpu.memory_space<vmem>>
      %gather3A_511 = tpu.memref_squeeze %gather3A_510 : memref<1x32x128xf32, #tpu.memory_space<vmem>> -> memref<32x128xf32, #tpu.memory_space<vmem>>
      %gather3A_512 = tpu.vector_load_idx %gather3A_511[%add3A_5, %broadcast_in_dim3A_487] : memref<32x128xf32, #tpu.memory_space<vmem>>[vector<16xi32>, vector<16xi32>], vector<16xf32>,
      %mul3A_513 = arith.mulf %gather3A_506, %gather3A_512 : vector<16xf32>
      %add3A_514 = arith.addf %mul3A_500, %mul3A_513 : vector<16xf32>
      %broadcast_in_dim3A_515 = arith.constant true
      %broadcast_in_dim3A_516 = vector.broadcast %broadcast_in_dim3A_515 : i1 to vector<16xi1>
      %masked_cumsum3A_517 = tpu.scan <sum>, %add3A_514 masked %broadcast_in_dim3A_516 : vector<16xf32>, vector<16xi1> -> vector<16xf32>
      %swap3A_518 = arith.index_cast %add3A_443 : i32 to index
      %swap3A_519 = tpu.vector_load %arg11[%swap3A_518] masked %eq3A_7 {strides = array<i32>} : memref<528xf32, #tpu.memory_space<vmem>>, vector<16xf32>, vector<16xi1>
      tpu.vector_store %arg11[%swap3A_518], %masked_cumsum3A_517 masked %eq3A_7 {strides = array<i32>} : memref<528xf32, #tpu.memory_space<vmem>>, vector<16xf32>, vector<16xi1>
      %add3A_520 = arith.constant 1 : i32
      %add3A_521 = arith.addi %mul3A_363, %add3A_520 : i32
      %add3A_522 = arith.constant 8 : i32
      %add3A_523 = arith.addi %add3A_521, %add3A_522 : i32
      %lt3A_524 = arith.constant 512 : i32
      %lt3A_525 = arith.cmpi slt, %add3A_523, %lt3A_524 : i32
      %convert_element_type3A_526 = arith.extui %lt3A_525 : i1 to i32
      %cond3A_527 = arith.constant 0 : i32
      %cond3A_528 = arith.cmpi ne, %convert_element_type3A_526, %cond3A_527 : i32
      scf.if %cond3A_528 {
        %add3A_1052 = arith.constant 1 : i32
        %add3A_1053 = arith.addi %mul3A_363, %add3A_1052 : i32
        %add3A_1054 = arith.constant 8 : i32
        %add3A_1055 = arith.addi %add3A_1053, %add3A_1054 : i32
        %get3A_1056 = arith.index_cast %add3A_1055 : i32 to index
        %get3A_1057 = tpu.vector_load %arg7[%get3A_1056] {strides = array<i32>} : memref<528xi32, #tpu.memory_space<vmem>>, vector<16xi32>,
        %slice3A_1058 = vector.extract_strided_slice %get3A_1057 {offsets = [0], sizes = [1], strides = [1]} : vector<16xi32> to vector<1xi32>
        %squeeze3A_1059 = vector.extract %slice3A_1058[0] : i32 from vector<1xi32>
        %get3A_1060 = arith.index_cast %add3A_1055 : i32 to index
        %get3A_1061 = tpu.vector_load %arg8[%get3A_1060] {strides = array<i32>} : memref<528xi32, #tpu.memory_space<vmem>>, vector<16xi32>,
        %slice3A_1062 = vector.extract_strided_slice %get3A_1061 {offsets = [0], sizes = [1], strides = [1]} : vector<16xi32> to vector<1xi32>
        %squeeze3A_1063 = vector.extract %slice3A_1062[0] : i32 from vector<1xi32>
        %shift_right_arithmetic3A_1064 = arith.constant 7 : i32
        %shift_right_arithmetic3A_1065 = arith.shrsi %squeeze3A_1059, %shift_right_arithmetic3A_1064 : i32
        %mul3A_1066 = arith.constant 128 : i32
        %mul3A_1067 = arith.muli %shift_right_arithmetic3A_1065, %mul3A_1066 : i32
        %multiple_of3A_1068 = tpu.assume_multiple %mul3A_1067, 128 : i32
        %shift_right_arithmetic3A_1069 = arith.constant 7 : i32
        %shift_right_arithmetic3A_1070 = arith.shrsi %squeeze3A_1063, %shift_right_arithmetic3A_1069 : i32
        %mul3A_1071 = arith.constant 128 : i32
        %mul3A_1072 = arith.muli %shift_right_arithmetic3A_1070, %mul3A_1071 : i32
        %multiple_of3A_1073 = tpu.assume_multiple %mul3A_1072, 128 : i32
        %dma_start3A_1074 = arith.constant 1 : i32
        %dma_start3A_1075 = arith.constant 0 : i32
        %dma_start3A_1076 = arith.constant 0 : i32
        %dma_start3A_1077 = tpu.memref_slice %arg9[%dma_start3A_1074, %dma_start3A_1075, %dma_start3A_1076] : memref<8x32x128xf32, #tpu.memory_space<vmem>> -> memref<1x32x128xf32, #tpu.memory_space<vmem>>
        %dma_start3A_1078 = tpu.memref_squeeze %dma_start3A_1077 : memref<1x32x128xf32, #tpu.memory_space<vmem>> -> memref<32x128xf32, #tpu.memory_space<vmem>>
        %dma_start3A_1079 = arith.constant 0 : i32
        %dma_start3A_1080 = tpu.memref_slice %arg4[%dma_start3A_1079, %multiple_of3A_1068] : memref<32x1000000xf32, #tpu.memory_space<hbm>> -> memref<32x128xf32, #tpu.memory_space<hbm>>
        %dma_start3A_1081 = arith.constant 0 : i32
        %dma_start3A_1082 = arith.constant 0 : i32
        %dma_start3A_1083 = tpu.memref_slice %arg9[%dma_start3A_1074, %dma_start3A_1081, %dma_start3A_1082] : memref<8x32x128xf32, #tpu.memory_space<vmem>> -> memref<1x32x128xf32, #tpu.memory_space<vmem>>
        %dma_start3A_1084 = tpu.memref_squeeze %dma_start3A_1083 : memref<1x32x128xf32, #tpu.memory_space<vmem>> -> memref<32x128xf32, #tpu.memory_space<vmem>>
        %dma_start3A_1085 = arith.constant 0 : i32
        %dma_start3A_1086 = tpu.memref_slice %arg4[%dma_start3A_1085, %multiple_of3A_1068] : memref<32x1000000xf32, #tpu.memory_space<hbm>> -> memref<32x128xf32, #tpu.memory_space<hbm>>
        tpu.enqueue_dma source(%dma_start3A_1086 : memref<32x128xf32, #tpu.memory_space<hbm>>) target(%dma_start3A_1084 : memref<32x128xf32, #tpu.memory_space<vmem>>) target_semaphore(%arg13 : memref<!tpu.dma_semaphore, #tpu.memory_space<semaphore_mem>>)
        %dma_start3A_1087 = arith.constant 1 : i32
        %dma_start3A_1088 = arith.constant 0 : i32
        %dma_start3A_1089 = arith.constant 0 : i32
        %dma_start3A_1090 = tpu.memref_slice %arg10[%dma_start3A_1087, %dma_start3A_1088, %dma_start3A_1089] : memref<8x32x128xf32, #tpu.memory_space<vmem>> -> memref<1x32x128xf32, #tpu.memory_space<vmem>>
        %dma_start3A_1091 = tpu.memref_squeeze %dma_start3A_1090 : memref<1x32x128xf32, #tpu.memory_space<vmem>> -> memref<32x128xf32, #tpu.memory_space<vmem>>
        %dma_start3A_1092 = arith.constant 0 : i32
        %dma_start3A_1093 = tpu.memref_slice %arg5[%dma_start3A_1092, %multiple_of3A_1073] : memref<32x1000000xf32, #tpu.memory_space<hbm>> -> memref<32x128xf32, #tpu.memory_space<hbm>>
        %dma_start3A_1094 = arith.constant 0 : i32
        %dma_start3A_1095 = arith.constant 0 : i32
        %dma_start3A_1096 = tpu.memref_slice %arg10[%dma_start3A_1087, %dma_start3A_1094, %dma_start3A_1095] : memref<8x32x128xf32, #tpu.memory_space<vmem>> -> memref<1x32x128xf32, #tpu.memory_space<vmem>>
        %dma_start3A_1097 = tpu.memref_squeeze %dma_start3A_1096 : memref<1x32x128xf32, #tpu.memory_space<vmem>> -> memref<32x128xf32, #tpu.memory_space<vmem>>
        %dma_start3A_1098 = arith.constant 0 : i32
        %dma_start3A_1099 = tpu.memref_slice %arg5[%dma_start3A_1098, %multiple_of3A_1073] : memref<32x1000000xf32, #tpu.memory_space<hbm>> -> memref<32x128xf32, #tpu.memory_space<hbm>>
        tpu.enqueue_dma source(%dma_start3A_1099 : memref<32x128xf32, #tpu.memory_space<hbm>>) target(%dma_start3A_1097 : memref<32x128xf32, #tpu.memory_space<vmem>>) target_semaphore(%arg21 : memref<!tpu.dma_semaphore, #tpu.memory_space<semaphore_mem>>)
      } else {
      }
      %add3A_529 = arith.constant 2 : i32
      %add3A_530 = arith.addi %mul3A_363, %add3A_529 : i32
      %dma_wait3A_531 = arith.constant 2 : i32
      %dma_wait3A_532 = arith.constant 0 : i32
      %dma_wait3A_533 = arith.constant 0 : i32
      %dma_wait3A_534 = tpu.memref_slice %arg9[%dma_wait3A_531, %dma_wait3A_532, %dma_wait3A_533] : memref<8x32x128xf32, #tpu.memory_space<vmem>> -> memref<1x32x128xf32, #tpu.memory_space<vmem>>
      %dma_wait3A_535 = tpu.memref_squeeze %dma_wait3A_534 : memref<1x32x128xf32, #tpu.memory_space<vmem>> -> memref<32x128xf32, #tpu.memory_space<vmem>>
      %dma_wait3A_536 = arith.constant 0 : i32
      %dma_wait3A_537 = arith.constant 0 : i32
      %dma_wait3A_538 = tpu.memref_slice %arg4[%dma_wait3A_536, %dma_wait3A_537] : memref<32x1000000xf32, #tpu.memory_space<hbm>> -> memref<32x128xf32, #tpu.memory_space<hbm>>
      %dma_wait3A_539 = arith.constant 0 : i32
      %dma_wait3A_540 = arith.constant 0 : i32
      %dma_wait3A_541 = tpu.memref_slice %arg9[%dma_wait3A_531, %dma_wait3A_539, %dma_wait3A_540] : memref<8x32x128xf32, #tpu.memory_space<vmem>> -> memref<1x32x128xf32, #tpu.memory_space<vmem>>
      %dma_wait3A_542 = tpu.memref_squeeze %dma_wait3A_541 : memref<1x32x128xf32, #tpu.memory_space<vmem>> -> memref<32x128xf32, #tpu.memory_space<vmem>>
      %dma_wait3A_543 = arith.constant 0 : i32
      %dma_wait3A_544 = arith.constant 0 : i32
      %dma_wait3A_545 = tpu.memref_slice %arg4[%dma_wait3A_543, %dma_wait3A_544] : memref<32x1000000xf32, #tpu.memory_space<hbm>> -> memref<32x128xf32, #tpu.memory_space<hbm>>
      tpu.wait_dma2 semaphore(%arg14 : memref<!tpu.dma_semaphore, #tpu.memory_space<semaphore_mem>>) src(%dma_wait3A_545 : memref<32x128xf32, #tpu.memory_space<hbm>>) dst(%dma_wait3A_542 : memref<32x128xf32, #tpu.memory_space<vmem>>)
      %dma_wait3A_546 = arith.constant 2 : i32
      %dma_wait3A_547 = arith.constant 0 : i32
      %dma_wait3A_548 = arith.constant 0 : i32
      %dma_wait3A_549 = tpu.memref_slice %arg10[%dma_wait3A_546, %dma_wait3A_547, %dma_wait3A_548] : memref<8x32x128xf32, #tpu.memory_space<vmem>> -> memref<1x32x128xf32, #tpu.memory_space<vmem>>
      %dma_wait3A_550 = tpu.memref_squeeze %dma_wait3A_549 : memref<1x32x128xf32, #tpu.memory_space<vmem>> -> memref<32x128xf32, #tpu.memory_space<vmem>>
      %dma_wait3A_551 = arith.constant 0 : i32
      %dma_wait3A_552 = arith.constant 0 : i32
      %dma_wait3A_553 = tpu.memref_slice %arg5[%dma_wait3A_551, %dma_wait3A_552] : memref<32x1000000xf32, #tpu.memory_space<hbm>> -> memref<32x128xf32, #tpu.memory_space<hbm>>
      %dma_wait3A_554 = arith.constant 0 : i32
      %dma_wait3A_555 = arith.constant 0 : i32
      %dma_wait3A_556 = tpu.memref_slice %arg10[%dma_wait3A_546, %dma_wait3A_554, %dma_wait3A_555] : memref<8x32x128xf32, #tpu.memory_space<vmem>> -> memref<1x32x128xf32, #tpu.memory_space<vmem>>
      %dma_wait3A_557 = tpu.memref_squeeze %dma_wait3A_556 : memref<1x32x128xf32, #tpu.memory_space<vmem>> -> memref<32x128xf32, #tpu.memory_space<vmem>>
      %dma_wait3A_558 = arith.constant 0 : i32
      %dma_wait3A_559 = arith.constant 0 : i32
      %dma_wait3A_560 = tpu.memref_slice %arg5[%dma_wait3A_558, %dma_wait3A_559] : memref<32x1000000xf32, #tpu.memory_space<hbm>> -> memref<32x128xf32, #tpu.memory_space<hbm>>
      tpu.wait_dma2 semaphore(%arg22 : memref<!tpu.dma_semaphore, #tpu.memory_space<semaphore_mem>>) src(%dma_wait3A_560 : memref<32x128xf32, #tpu.memory_space<hbm>>) dst(%dma_wait3A_557 : memref<32x128xf32, #tpu.memory_space<vmem>>)
      %get3A_561 = arith.index_cast %add3A_530 : i32 to index
      %get3A_562 = tpu.vector_load %arg7[%get3A_561] {strides = array<i32>} : memref<528xi32, #tpu.memory_space<vmem>>, vector<16xi32>,
      %slice3A_563 = vector.extract_strided_slice %get3A_562 {offsets = [0], sizes = [1], strides = [1]} : vector<16xi32> to vector<1xi32>
      %squeeze3A_564 = vector.extract %slice3A_563[0] : i32 from vector<1xi32>
      %and3A_565 = arith.constant 127 : i32
      %and3A_566 = arith.andi %squeeze3A_564, %and3A_565 : i32
      %broadcast_in_dim3A_567 = vector.broadcast %and3A_566 : i32 to vector<16xi32>
      %get3A_568 = arith.index_cast %add3A_530 : i32 to index
      %get3A_569 = tpu.vector_load %arg8[%get3A_568] {strides = array<i32>} : memref<528xi32, #tpu.memory_space<vmem>>, vector<16xi32>,
      %slice3A_570 = vector.extract_strided_slice %get3A_569 {offsets = [0], sizes = [1], strides = [1]} : vector<16xi32> to vector<1xi32>
      %squeeze3A_571 = vector.extract %slice3A_570[0] : i32 from vector<1xi32>
      %and3A_572 = arith.constant 127 : i32
      %and3A_573 = arith.andi %squeeze3A_571, %and3A_572 : i32
      %broadcast_in_dim3A_574 = vector.broadcast %and3A_573 : i32 to vector<16xi32>
      %gather3A_575 = arith.constant 2 : i32
      %gather3A_576 = arith.constant 0 : i32
      %gather3A_577 = arith.constant 0 : i32
      %gather3A_578 = tpu.memref_slice %arg9[%gather3A_575, %gather3A_576, %gather3A_577] : memref<8x32x128xf32, #tpu.memory_space<vmem>> -> memref<1x32x128xf32, #tpu.memory_space<vmem>>
      %gather3A_579 = tpu.memref_squeeze %gather3A_578 : memref<1x32x128xf32, #tpu.memory_space<vmem>> -> memref<32x128xf32, #tpu.memory_space<vmem>>
      %gather3A_580 = tpu.vector_load_idx %gather3A_579[%iota3A, %broadcast_in_dim3A_567] : memref<32x128xf32, #tpu.memory_space<vmem>>[vector<16xi32>, vector<16xi32>], vector<16xf32>,
      %gather3A_581 = arith.constant 2 : i32
      %gather3A_582 = arith.constant 0 : i32
      %gather3A_583 = arith.constant 0 : i32
      %gather3A_584 = tpu.memref_slice %arg10[%gather3A_581, %gather3A_582, %gather3A_583] : memref<8x32x128xf32, #tpu.memory_space<vmem>> -> memref<1x32x128xf32, #tpu.memory_space<vmem>>
      %gather3A_585 = tpu.memref_squeeze %gather3A_584 : memref<1x32x128xf32, #tpu.memory_space<vmem>> -> memref<32x128xf32, #tpu.memory_space<vmem>>
      %gather3A_586 = tpu.vector_load_idx %gather3A_585[%iota3A, %broadcast_in_dim3A_574] : memref<32x128xf32, #tpu.memory_space<vmem>>[vector<16xi32>, vector<16xi32>], vector<16xf32>,
      %mul3A_587 = arith.mulf %gather3A_580, %gather3A_586 : vector<16xf32>
      %gather3A_588 = arith.constant 2 : i32
      %gather3A_589 = arith.constant 0 : i32
      %gather3A_590 = arith.constant 0 : i32
      %gather3A_591 = tpu.memref_slice %arg9[%gather3A_588, %gather3A_589, %gather3A_590] : memref<8x32x128xf32, #tpu.memory_space<vmem>> -> memref<1x32x128xf32, #tpu.memory_space<vmem>>
      %gather3A_592 = tpu.memref_squeeze %gather3A_591 : memref<1x32x128xf32, #tpu.memory_space<vmem>> -> memref<32x128xf32, #tpu.memory_space<vmem>>
      %gather3A_593 = tpu.vector_load_idx %gather3A_592[%add3A_5, %broadcast_in_dim3A_567] : memref<32x128xf32, #tpu.memory_space<vmem>>[vector<16xi32>, vector<16xi32>], vector<16xf32>,
      %gather3A_594 = arith.constant 2 : i32
      %gather3A_595 = arith.constant 0 : i32
      %gather3A_596 = arith.constant 0 : i32
      %gather3A_597 = tpu.memref_slice %arg10[%gather3A_594, %gather3A_595, %gather3A_596] : memref<8x32x128xf32, #tpu.memory_space<vmem>> -> memref<1x32x128xf32, #tpu.memory_space<vmem>>
      %gather3A_598 = tpu.memref_squeeze %gather3A_597 : memref<1x32x128xf32, #tpu.memory_space<vmem>> -> memref<32x128xf32, #tpu.memory_space<vmem>>
      %gather3A_599 = tpu.vector_load_idx %gather3A_598[%add3A_5, %broadcast_in_dim3A_574] : memref<32x128xf32, #tpu.memory_space<vmem>>[vector<16xi32>, vector<16xi32>], vector<16xf32>,
      %mul3A_600 = arith.mulf %gather3A_593, %gather3A_599 : vector<16xf32>
      %add3A_601 = arith.addf %mul3A_587, %mul3A_600 : vector<16xf32>
      %broadcast_in_dim3A_602 = arith.constant true
      %broadcast_in_dim3A_603 = vector.broadcast %broadcast_in_dim3A_602 : i1 to vector<16xi1>
      %masked_cumsum3A_604 = tpu.scan <sum>, %add3A_601 masked %broadcast_in_dim3A_603 : vector<16xf32>, vector<16xi1> -> vector<16xf32>
      %swap3A_605 = arith.index_cast %add3A_530 : i32 to index
      %swap3A_606 = tpu.vector_load %arg11[%swap3A_605] masked %eq3A_7 {strides = array<i32>} : memref<528xf32, #tpu.memory_space<vmem>>, vector<16xf32>, vector<16xi1>
      tpu.vector_store %arg11[%swap3A_605], %masked_cumsum3A_604 masked %eq3A_7 {strides = array<i32>} : memref<528xf32, #tpu.memory_space<vmem>>, vector<16xf32>, vector<16xi1>
      %add3A_607 = arith.constant 2 : i32
      %add3A_608 = arith.addi %mul3A_363, %add3A_607 : i32
      %add3A_609 = arith.constant 8 : i32
      %add3A_610 = arith.addi %add3A_608, %add3A_609 : i32
      %lt3A_611 = arith.constant 512 : i32
      %lt3A_612 = arith.cmpi slt, %add3A_610, %lt3A_611 : i32
      %convert_element_type3A_613 = arith.extui %lt3A_612 : i1 to i32
      %cond3A_614 = arith.constant 0 : i32
      %cond3A_615 = arith.cmpi ne, %convert_element_type3A_613, %cond3A_614 : i32
      scf.if %cond3A_615 {
        %add3A_1052 = arith.constant 2 : i32
        %add3A_1053 = arith.addi %mul3A_363, %add3A_1052 : i32
        %add3A_1054 = arith.constant 8 : i32
        %add3A_1055 = arith.addi %add3A_1053, %add3A_1054 : i32
        %get3A_1056 = arith.index_cast %add3A_1055 : i32 to index
        %get3A_1057 = tpu.vector_load %arg7[%get3A_1056] {strides = array<i32>} : memref<528xi32, #tpu.memory_space<vmem>>, vector<16xi32>,
        %slice3A_1058 = vector.extract_strided_slice %get3A_1057 {offsets = [0], sizes = [1], strides = [1]} : vector<16xi32> to vector<1xi32>
        %squeeze3A_1059 = vector.extract %slice3A_1058[0] : i32 from vector<1xi32>
        %get3A_1060 = arith.index_cast %add3A_1055 : i32 to index
        %get3A_1061 = tpu.vector_load %arg8[%get3A_1060] {strides = array<i32>} : memref<528xi32, #tpu.memory_space<vmem>>, vector<16xi32>,
        %slice3A_1062 = vector.extract_strided_slice %get3A_1061 {offsets = [0], sizes = [1], strides = [1]} : vector<16xi32> to vector<1xi32>
        %squeeze3A_1063 = vector.extract %slice3A_1062[0] : i32 from vector<1xi32>
        %shift_right_arithmetic3A_1064 = arith.constant 7 : i32
        %shift_right_arithmetic3A_1065 = arith.shrsi %squeeze3A_1059, %shift_right_arithmetic3A_1064 : i32
        %mul3A_1066 = arith.constant 128 : i32
        %mul3A_1067 = arith.muli %shift_right_arithmetic3A_1065, %mul3A_1066 : i32
        %multiple_of3A_1068 = tpu.assume_multiple %mul3A_1067, 128 : i32
        %shift_right_arithmetic3A_1069 = arith.constant 7 : i32
        %shift_right_arithmetic3A_1070 = arith.shrsi %squeeze3A_1063, %shift_right_arithmetic3A_1069 : i32
        %mul3A_1071 = arith.constant 128 : i32
        %mul3A_1072 = arith.muli %shift_right_arithmetic3A_1070, %mul3A_1071 : i32
        %multiple_of3A_1073 = tpu.assume_multiple %mul3A_1072, 128 : i32
        %dma_start3A_1074 = arith.constant 2 : i32
        %dma_start3A_1075 = arith.constant 0 : i32
        %dma_start3A_1076 = arith.constant 0 : i32
        %dma_start3A_1077 = tpu.memref_slice %arg9[%dma_start3A_1074, %dma_start3A_1075, %dma_start3A_1076] : memref<8x32x128xf32, #tpu.memory_space<vmem>> -> memref<1x32x128xf32, #tpu.memory_space<vmem>>
        %dma_start3A_1078 = tpu.memref_squeeze %dma_start3A_1077 : memref<1x32x128xf32, #tpu.memory_space<vmem>> -> memref<32x128xf32, #tpu.memory_space<vmem>>
        %dma_start3A_1079 = arith.constant 0 : i32
        %dma_start3A_1080 = tpu.memref_slice %arg4[%dma_start3A_1079, %multiple_of3A_1068] : memref<32x1000000xf32, #tpu.memory_space<hbm>> -> memref<32x128xf32, #tpu.memory_space<hbm>>
        %dma_start3A_1081 = arith.constant 0 : i32
        %dma_start3A_1082 = arith.constant 0 : i32
        %dma_start3A_1083 = tpu.memref_slice %arg9[%dma_start3A_1074, %dma_start3A_1081, %dma_start3A_1082] : memref<8x32x128xf32, #tpu.memory_space<vmem>> -> memref<1x32x128xf32, #tpu.memory_space<vmem>>
        %dma_start3A_1084 = tpu.memref_squeeze %dma_start3A_1083 : memref<1x32x128xf32, #tpu.memory_space<vmem>> -> memref<32x128xf32, #tpu.memory_space<vmem>>
        %dma_start3A_1085 = arith.constant 0 : i32
        %dma_start3A_1086 = tpu.memref_slice %arg4[%dma_start3A_1085, %multiple_of3A_1068] : memref<32x1000000xf32, #tpu.memory_space<hbm>> -> memref<32x128xf32, #tpu.memory_space<hbm>>
        tpu.enqueue_dma source(%dma_start3A_1086 : memref<32x128xf32, #tpu.memory_space<hbm>>) target(%dma_start3A_1084 : memref<32x128xf32, #tpu.memory_space<vmem>>) target_semaphore(%arg14 : memref<!tpu.dma_semaphore, #tpu.memory_space<semaphore_mem>>)
        %dma_start3A_1087 = arith.constant 2 : i32
        %dma_start3A_1088 = arith.constant 0 : i32
        %dma_start3A_1089 = arith.constant 0 : i32
        %dma_start3A_1090 = tpu.memref_slice %arg10[%dma_start3A_1087, %dma_start3A_1088, %dma_start3A_1089] : memref<8x32x128xf32, #tpu.memory_space<vmem>> -> memref<1x32x128xf32, #tpu.memory_space<vmem>>
        %dma_start3A_1091 = tpu.memref_squeeze %dma_start3A_1090 : memref<1x32x128xf32, #tpu.memory_space<vmem>> -> memref<32x128xf32, #tpu.memory_space<vmem>>
        %dma_start3A_1092 = arith.constant 0 : i32
        %dma_start3A_1093 = tpu.memref_slice %arg5[%dma_start3A_1092, %multiple_of3A_1073] : memref<32x1000000xf32, #tpu.memory_space<hbm>> -> memref<32x128xf32, #tpu.memory_space<hbm>>
        %dma_start3A_1094 = arith.constant 0 : i32
        %dma_start3A_1095 = arith.constant 0 : i32
        %dma_start3A_1096 = tpu.memref_slice %arg10[%dma_start3A_1087, %dma_start3A_1094, %dma_start3A_1095] : memref<8x32x128xf32, #tpu.memory_space<vmem>> -> memref<1x32x128xf32, #tpu.memory_space<vmem>>
        %dma_start3A_1097 = tpu.memref_squeeze %dma_start3A_1096 : memref<1x32x128xf32, #tpu.memory_space<vmem>> -> memref<32x128xf32, #tpu.memory_space<vmem>>
        %dma_start3A_1098 = arith.constant 0 : i32
        %dma_start3A_1099 = tpu.memref_slice %arg5[%dma_start3A_1098, %multiple_of3A_1073] : memref<32x1000000xf32, #tpu.memory_space<hbm>> -> memref<32x128xf32, #tpu.memory_space<hbm>>
        tpu.enqueue_dma source(%dma_start3A_1099 : memref<32x128xf32, #tpu.memory_space<hbm>>) target(%dma_start3A_1097 : memref<32x128xf32, #tpu.memory_space<vmem>>) target_semaphore(%arg22 : memref<!tpu.dma_semaphore, #tpu.memory_space<semaphore_mem>>)
      } else {
      }
      %add3A_616 = arith.constant 3 : i32
      %add3A_617 = arith.addi %mul3A_363, %add3A_616 : i32
      %dma_wait3A_618 = arith.constant 3 : i32
      %dma_wait3A_619 = arith.constant 0 : i32
      %dma_wait3A_620 = arith.constant 0 : i32
      %dma_wait3A_621 = tpu.memref_slice %arg9[%dma_wait3A_618, %dma_wait3A_619, %dma_wait3A_620] : memref<8x32x128xf32, #tpu.memory_space<vmem>> -> memref<1x32x128xf32, #tpu.memory_space<vmem>>
      %dma_wait3A_622 = tpu.memref_squeeze %dma_wait3A_621 : memref<1x32x128xf32, #tpu.memory_space<vmem>> -> memref<32x128xf32, #tpu.memory_space<vmem>>
      %dma_wait3A_623 = arith.constant 0 : i32
      %dma_wait3A_624 = arith.constant 0 : i32
      %dma_wait3A_625 = tpu.memref_slice %arg4[%dma_wait3A_623, %dma_wait3A_624] : memref<32x1000000xf32, #tpu.memory_space<hbm>> -> memref<32x128xf32, #tpu.memory_space<hbm>>
      %dma_wait3A_626 = arith.constant 0 : i32
      %dma_wait3A_627 = arith.constant 0 : i32
      %dma_wait3A_628 = tpu.memref_slice %arg9[%dma_wait3A_618, %dma_wait3A_626, %dma_wait3A_627] : memref<8x32x128xf32, #tpu.memory_space<vmem>> -> memref<1x32x128xf32, #tpu.memory_space<vmem>>
      %dma_wait3A_629 = tpu.memref_squeeze %dma_wait3A_628 : memref<1x32x128xf32, #tpu.memory_space<vmem>> -> memref<32x128xf32, #tpu.memory_space<vmem>>
      %dma_wait3A_630 = arith.constant 0 : i32
      %dma_wait3A_631 = arith.constant 0 : i32
      %dma_wait3A_632 = tpu.memref_slice %arg4[%dma_wait3A_630, %dma_wait3A_631] : memref<32x1000000xf32, #tpu.memory_space<hbm>> -> memref<32x128xf32, #tpu.memory_space<hbm>>
      tpu.wait_dma2 semaphore(%arg15 : memref<!tpu.dma_semaphore, #tpu.memory_space<semaphore_mem>>) src(%dma_wait3A_632 : memref<32x128xf32, #tpu.memory_space<hbm>>) dst(%dma_wait3A_629 : memref<32x128xf32, #tpu.memory_space<vmem>>)
      %dma_wait3A_633 = arith.constant 3 : i32
      %dma_wait3A_634 = arith.constant 0 : i32
      %dma_wait3A_635 = arith.constant 0 : i32
      %dma_wait3A_636 = tpu.memref_slice %arg10[%dma_wait3A_633, %dma_wait3A_634, %dma_wait3A_635] : memref<8x32x128xf32, #tpu.memory_space<vmem>> -> memref<1x32x128xf32, #tpu.memory_space<vmem>>
      %dma_wait3A_637 = tpu.memref_squeeze %dma_wait3A_636 : memref<1x32x128xf32, #tpu.memory_space<vmem>> -> memref<32x128xf32, #tpu.memory_space<vmem>>
      %dma_wait3A_638 = arith.constant 0 : i32
      %dma_wait3A_639 = arith.constant 0 : i32
      %dma_wait3A_640 = tpu.memref_slice %arg5[%dma_wait3A_638, %dma_wait3A_639] : memref<32x1000000xf32, #tpu.memory_space<hbm>> -> memref<32x128xf32, #tpu.memory_space<hbm>>
      %dma_wait3A_641 = arith.constant 0 : i32
      %dma_wait3A_642 = arith.constant 0 : i32
      %dma_wait3A_643 = tpu.memref_slice %arg10[%dma_wait3A_633, %dma_wait3A_641, %dma_wait3A_642] : memref<8x32x128xf32, #tpu.memory_space<vmem>> -> memref<1x32x128xf32, #tpu.memory_space<vmem>>
      %dma_wait3A_644 = tpu.memref_squeeze %dma_wait3A_643 : memref<1x32x128xf32, #tpu.memory_space<vmem>> -> memref<32x128xf32, #tpu.memory_space<vmem>>
      %dma_wait3A_645 = arith.constant 0 : i32
      %dma_wait3A_646 = arith.constant 0 : i32
      %dma_wait3A_647 = tpu.memref_slice %arg5[%dma_wait3A_645, %dma_wait3A_646] : memref<32x1000000xf32, #tpu.memory_space<hbm>> -> memref<32x128xf32, #tpu.memory_space<hbm>>
      tpu.wait_dma2 semaphore(%arg23 : memref<!tpu.dma_semaphore, #tpu.memory_space<semaphore_mem>>) src(%dma_wait3A_647 : memref<32x128xf32, #tpu.memory_space<hbm>>) dst(%dma_wait3A_644 : memref<32x128xf32, #tpu.memory_space<vmem>>)
      %get3A_648 = arith.index_cast %add3A_617 : i32 to index
      %get3A_649 = tpu.vector_load %arg7[%get3A_648] {strides = array<i32>} : memref<528xi32, #tpu.memory_space<vmem>>, vector<16xi32>,
      %slice3A_650 = vector.extract_strided_slice %get3A_649 {offsets = [0], sizes = [1], strides = [1]} : vector<16xi32> to vector<1xi32>
      %squeeze3A_651 = vector.extract %slice3A_650[0] : i32 from vector<1xi32>
      %and3A_652 = arith.constant 127 : i32
      %and3A_653 = arith.andi %squeeze3A_651, %and3A_652 : i32
      %broadcast_in_dim3A_654 = vector.broadcast %and3A_653 : i32 to vector<16xi32>
      %get3A_655 = arith.index_cast %add3A_617 : i32 to index
      %get3A_656 = tpu.vector_load %arg8[%get3A_655] {strides = array<i32>} : memref<528xi32, #tpu.memory_space<vmem>>, vector<16xi32>,
      %slice3A_657 = vector.extract_strided_slice %get3A_656 {offsets = [0], sizes = [1], strides = [1]} : vector<16xi32> to vector<1xi32>
      %squeeze3A_658 = vector.extract %slice3A_657[0] : i32 from vector<1xi32>
      %and3A_659 = arith.constant 127 : i32
      %and3A_660 = arith.andi %squeeze3A_658, %and3A_659 : i32
      %broadcast_in_dim3A_661 = vector.broadcast %and3A_660 : i32 to vector<16xi32>
      %gather3A_662 = arith.constant 3 : i32
      %gather3A_663 = arith.constant 0 : i32
      %gather3A_664 = arith.constant 0 : i32
      %gather3A_665 = tpu.memref_slice %arg9[%gather3A_662, %gather3A_663, %gather3A_664] : memref<8x32x128xf32, #tpu.memory_space<vmem>> -> memref<1x32x128xf32, #tpu.memory_space<vmem>>
      %gather3A_666 = tpu.memref_squeeze %gather3A_665 : memref<1x32x128xf32, #tpu.memory_space<vmem>> -> memref<32x128xf32, #tpu.memory_space<vmem>>
      %gather3A_667 = tpu.vector_load_idx %gather3A_666[%iota3A, %broadcast_in_dim3A_654] : memref<32x128xf32, #tpu.memory_space<vmem>>[vector<16xi32>, vector<16xi32>], vector<16xf32>,
      %gather3A_668 = arith.constant 3 : i32
      %gather3A_669 = arith.constant 0 : i32
      %gather3A_670 = arith.constant 0 : i32
      %gather3A_671 = tpu.memref_slice %arg10[%gather3A_668, %gather3A_669, %gather3A_670] : memref<8x32x128xf32, #tpu.memory_space<vmem>> -> memref<1x32x128xf32, #tpu.memory_space<vmem>>
      %gather3A_672 = tpu.memref_squeeze %gather3A_671 : memref<1x32x128xf32, #tpu.memory_space<vmem>> -> memref<32x128xf32, #tpu.memory_space<vmem>>
      %gather3A_673 = tpu.vector_load_idx %gather3A_672[%iota3A, %broadcast_in_dim3A_661] : memref<32x128xf32, #tpu.memory_space<vmem>>[vector<16xi32>, vector<16xi32>], vector<16xf32>,
      %mul3A_674 = arith.mulf %gather3A_667, %gather3A_673 : vector<16xf32>
      %gather3A_675 = arith.constant 3 : i32
      %gather3A_676 = arith.constant 0 : i32
      %gather3A_677 = arith.constant 0 : i32
      %gather3A_678 = tpu.memref_slice %arg9[%gather3A_675, %gather3A_676, %gather3A_677] : memref<8x32x128xf32, #tpu.memory_space<vmem>> -> memref<1x32x128xf32, #tpu.memory_space<vmem>>
      %gather3A_679 = tpu.memref_squeeze %gather3A_678 : memref<1x32x128xf32, #tpu.memory_space<vmem>> -> memref<32x128xf32, #tpu.memory_space<vmem>>
      %gather3A_680 = tpu.vector_load_idx %gather3A_679[%add3A_5, %broadcast_in_dim3A_654] : memref<32x128xf32, #tpu.memory_space<vmem>>[vector<16xi32>, vector<16xi32>], vector<16xf32>,
      %gather3A_681 = arith.constant 3 : i32
      %gather3A_682 = arith.constant 0 : i32
      %gather3A_683 = arith.constant 0 : i32
      %gather3A_684 = tpu.memref_slice %arg10[%gather3A_681, %gather3A_682, %gather3A_683] : memref<8x32x128xf32, #tpu.memory_space<vmem>> -> memref<1x32x128xf32, #tpu.memory_space<vmem>>
      %gather3A_685 = tpu.memref_squeeze %gather3A_684 : memref<1x32x128xf32, #tpu.memory_space<vmem>> -> memref<32x128xf32, #tpu.memory_space<vmem>>
      %gather3A_686 = tpu.vector_load_idx %gather3A_685[%add3A_5, %broadcast_in_dim3A_661] : memref<32x128xf32, #tpu.memory_space<vmem>>[vector<16xi32>, vector<16xi32>], vector<16xf32>,
      %mul3A_687 = arith.mulf %gather3A_680, %gather3A_686 : vector<16xf32>
      %add3A_688 = arith.addf %mul3A_674, %mul3A_687 : vector<16xf32>
      %broadcast_in_dim3A_689 = arith.constant true
      %broadcast_in_dim3A_690 = vector.broadcast %broadcast_in_dim3A_689 : i1 to vector<16xi1>
      %masked_cumsum3A_691 = tpu.scan <sum>, %add3A_688 masked %broadcast_in_dim3A_690 : vector<16xf32>, vector<16xi1> -> vector<16xf32>
      %swap3A_692 = arith.index_cast %add3A_617 : i32 to index
      %swap3A_693 = tpu.vector_load %arg11[%swap3A_692] masked %eq3A_7 {strides = array<i32>} : memref<528xf32, #tpu.memory_space<vmem>>, vector<16xf32>, vector<16xi1>
      tpu.vector_store %arg11[%swap3A_692], %masked_cumsum3A_691 masked %eq3A_7 {strides = array<i32>} : memref<528xf32, #tpu.memory_space<vmem>>, vector<16xf32>, vector<16xi1>
      %add3A_694 = arith.constant 3 : i32
      %add3A_695 = arith.addi %mul3A_363, %add3A_694 : i32
      %add3A_696 = arith.constant 8 : i32
      %add3A_697 = arith.addi %add3A_695, %add3A_696 : i32
      %lt3A_698 = arith.constant 512 : i32
      %lt3A_699 = arith.cmpi slt, %add3A_697, %lt3A_698 : i32
      %convert_element_type3A_700 = arith.extui %lt3A_699 : i1 to i32
      %cond3A_701 = arith.constant 0 : i32
      %cond3A_702 = arith.cmpi ne, %convert_element_type3A_700, %cond3A_701 : i32
      scf.if %cond3A_702 {
        %add3A_1052 = arith.constant 3 : i32
        %add3A_1053 = arith.addi %mul3A_363, %add3A_1052 : i32
        %add3A_1054 = arith.constant 8 : i32
        %add3A_1055 = arith.addi %add3A_1053, %add3A_1054 : i32
        %get3A_1056 = arith.index_cast %add3A_1055 : i32 to index
        %get3A_1057 = tpu.vector_load %arg7[%get3A_1056] {strides = array<i32>} : memref<528xi32, #tpu.memory_space<vmem>>, vector<16xi32>,
        %slice3A_1058 = vector.extract_strided_slice %get3A_1057 {offsets = [0], sizes = [1], strides = [1]} : vector<16xi32> to vector<1xi32>
        %squeeze3A_1059 = vector.extract %slice3A_1058[0] : i32 from vector<1xi32>
        %get3A_1060 = arith.index_cast %add3A_1055 : i32 to index
        %get3A_1061 = tpu.vector_load %arg8[%get3A_1060] {strides = array<i32>} : memref<528xi32, #tpu.memory_space<vmem>>, vector<16xi32>,
        %slice3A_1062 = vector.extract_strided_slice %get3A_1061 {offsets = [0], sizes = [1], strides = [1]} : vector<16xi32> to vector<1xi32>
        %squeeze3A_1063 = vector.extract %slice3A_1062[0] : i32 from vector<1xi32>
        %shift_right_arithmetic3A_1064 = arith.constant 7 : i32
        %shift_right_arithmetic3A_1065 = arith.shrsi %squeeze3A_1059, %shift_right_arithmetic3A_1064 : i32
        %mul3A_1066 = arith.constant 128 : i32
        %mul3A_1067 = arith.muli %shift_right_arithmetic3A_1065, %mul3A_1066 : i32
        %multiple_of3A_1068 = tpu.assume_multiple %mul3A_1067, 128 : i32
        %shift_right_arithmetic3A_1069 = arith.constant 7 : i32
        %shift_right_arithmetic3A_1070 = arith.shrsi %squeeze3A_1063, %shift_right_arithmetic3A_1069 : i32
        %mul3A_1071 = arith.constant 128 : i32
        %mul3A_1072 = arith.muli %shift_right_arithmetic3A_1070, %mul3A_1071 : i32
        %multiple_of3A_1073 = tpu.assume_multiple %mul3A_1072, 128 : i32
        %dma_start3A_1074 = arith.constant 3 : i32
        %dma_start3A_1075 = arith.constant 0 : i32
        %dma_start3A_1076 = arith.constant 0 : i32
        %dma_start3A_1077 = tpu.memref_slice %arg9[%dma_start3A_1074, %dma_start3A_1075, %dma_start3A_1076] : memref<8x32x128xf32, #tpu.memory_space<vmem>> -> memref<1x32x128xf32, #tpu.memory_space<vmem>>
        %dma_start3A_1078 = tpu.memref_squeeze %dma_start3A_1077 : memref<1x32x128xf32, #tpu.memory_space<vmem>> -> memref<32x128xf32, #tpu.memory_space<vmem>>
        %dma_start3A_1079 = arith.constant 0 : i32
        %dma_start3A_1080 = tpu.memref_slice %arg4[%dma_start3A_1079, %multiple_of3A_1068] : memref<32x1000000xf32, #tpu.memory_space<hbm>> -> memref<32x128xf32, #tpu.memory_space<hbm>>
        %dma_start3A_1081 = arith.constant 0 : i32
        %dma_start3A_1082 = arith.constant 0 : i32
        %dma_start3A_1083 = tpu.memref_slice %arg9[%dma_start3A_1074, %dma_start3A_1081, %dma_start3A_1082] : memref<8x32x128xf32, #tpu.memory_space<vmem>> -> memref<1x32x128xf32, #tpu.memory_space<vmem>>
        %dma_start3A_1084 = tpu.memref_squeeze %dma_start3A_1083 : memref<1x32x128xf32, #tpu.memory_space<vmem>> -> memref<32x128xf32, #tpu.memory_space<vmem>>
        %dma_start3A_1085 = arith.constant 0 : i32
        %dma_start3A_1086 = tpu.memref_slice %arg4[%dma_start3A_1085, %multiple_of3A_1068] : memref<32x1000000xf32, #tpu.memory_space<hbm>> -> memref<32x128xf32, #tpu.memory_space<hbm>>
        tpu.enqueue_dma source(%dma_start3A_1086 : memref<32x128xf32, #tpu.memory_space<hbm>>) target(%dma_start3A_1084 : memref<32x128xf32, #tpu.memory_space<vmem>>) target_semaphore(%arg15 : memref<!tpu.dma_semaphore, #tpu.memory_space<semaphore_mem>>)
        %dma_start3A_1087 = arith.constant 3 : i32
        %dma_start3A_1088 = arith.constant 0 : i32
        %dma_start3A_1089 = arith.constant 0 : i32
        %dma_start3A_1090 = tpu.memref_slice %arg10[%dma_start3A_1087, %dma_start3A_1088, %dma_start3A_1089] : memref<8x32x128xf32, #tpu.memory_space<vmem>> -> memref<1x32x128xf32, #tpu.memory_space<vmem>>
        %dma_start3A_1091 = tpu.memref_squeeze %dma_start3A_1090 : memref<1x32x128xf32, #tpu.memory_space<vmem>> -> memref<32x128xf32, #tpu.memory_space<vmem>>
        %dma_start3A_1092 = arith.constant 0 : i32
        %dma_start3A_1093 = tpu.memref_slice %arg5[%dma_start3A_1092, %multiple_of3A_1073] : memref<32x1000000xf32, #tpu.memory_space<hbm>> -> memref<32x128xf32, #tpu.memory_space<hbm>>
        %dma_start3A_1094 = arith.constant 0 : i32
        %dma_start3A_1095 = arith.constant 0 : i32
        %dma_start3A_1096 = tpu.memref_slice %arg10[%dma_start3A_1087, %dma_start3A_1094, %dma_start3A_1095] : memref<8x32x128xf32, #tpu.memory_space<vmem>> -> memref<1x32x128xf32, #tpu.memory_space<vmem>>
        %dma_start3A_1097 = tpu.memref_squeeze %dma_start3A_1096 : memref<1x32x128xf32, #tpu.memory_space<vmem>> -> memref<32x128xf32, #tpu.memory_space<vmem>>
        %dma_start3A_1098 = arith.constant 0 : i32
        %dma_start3A_1099 = tpu.memref_slice %arg5[%dma_start3A_1098, %multiple_of3A_1073] : memref<32x1000000xf32, #tpu.memory_space<hbm>> -> memref<32x128xf32, #tpu.memory_space<hbm>>
        tpu.enqueue_dma source(%dma_start3A_1099 : memref<32x128xf32, #tpu.memory_space<hbm>>) target(%dma_start3A_1097 : memref<32x128xf32, #tpu.memory_space<vmem>>) target_semaphore(%arg23 : memref<!tpu.dma_semaphore, #tpu.memory_space<semaphore_mem>>)
      } else {
      }
      %add3A_703 = arith.constant 4 : i32
      %add3A_704 = arith.addi %mul3A_363, %add3A_703 : i32
      %dma_wait3A_705 = arith.constant 4 : i32
      %dma_wait3A_706 = arith.constant 0 : i32
      %dma_wait3A_707 = arith.constant 0 : i32
      %dma_wait3A_708 = tpu.memref_slice %arg9[%dma_wait3A_705, %dma_wait3A_706, %dma_wait3A_707] : memref<8x32x128xf32, #tpu.memory_space<vmem>> -> memref<1x32x128xf32, #tpu.memory_space<vmem>>
      %dma_wait3A_709 = tpu.memref_squeeze %dma_wait3A_708 : memref<1x32x128xf32, #tpu.memory_space<vmem>> -> memref<32x128xf32, #tpu.memory_space<vmem>>
      %dma_wait3A_710 = arith.constant 0 : i32
      %dma_wait3A_711 = arith.constant 0 : i32
      %dma_wait3A_712 = tpu.memref_slice %arg4[%dma_wait3A_710, %dma_wait3A_711] : memref<32x1000000xf32, #tpu.memory_space<hbm>> -> memref<32x128xf32, #tpu.memory_space<hbm>>
      %dma_wait3A_713 = arith.constant 0 : i32
      %dma_wait3A_714 = arith.constant 0 : i32
      %dma_wait3A_715 = tpu.memref_slice %arg9[%dma_wait3A_705, %dma_wait3A_713, %dma_wait3A_714] : memref<8x32x128xf32, #tpu.memory_space<vmem>> -> memref<1x32x128xf32, #tpu.memory_space<vmem>>
      %dma_wait3A_716 = tpu.memref_squeeze %dma_wait3A_715 : memref<1x32x128xf32, #tpu.memory_space<vmem>> -> memref<32x128xf32, #tpu.memory_space<vmem>>
      %dma_wait3A_717 = arith.constant 0 : i32
      %dma_wait3A_718 = arith.constant 0 : i32
      %dma_wait3A_719 = tpu.memref_slice %arg4[%dma_wait3A_717, %dma_wait3A_718] : memref<32x1000000xf32, #tpu.memory_space<hbm>> -> memref<32x128xf32, #tpu.memory_space<hbm>>
      tpu.wait_dma2 semaphore(%arg16 : memref<!tpu.dma_semaphore, #tpu.memory_space<semaphore_mem>>) src(%dma_wait3A_719 : memref<32x128xf32, #tpu.memory_space<hbm>>) dst(%dma_wait3A_716 : memref<32x128xf32, #tpu.memory_space<vmem>>)
      %dma_wait3A_720 = arith.constant 4 : i32
      %dma_wait3A_721 = arith.constant 0 : i32
      %dma_wait3A_722 = arith.constant 0 : i32
      %dma_wait3A_723 = tpu.memref_slice %arg10[%dma_wait3A_720, %dma_wait3A_721, %dma_wait3A_722] : memref<8x32x128xf32, #tpu.memory_space<vmem>> -> memref<1x32x128xf32, #tpu.memory_space<vmem>>
      %dma_wait3A_724 = tpu.memref_squeeze %dma_wait3A_723 : memref<1x32x128xf32, #tpu.memory_space<vmem>> -> memref<32x128xf32, #tpu.memory_space<vmem>>
      %dma_wait3A_725 = arith.constant 0 : i32
      %dma_wait3A_726 = arith.constant 0 : i32
      %dma_wait3A_727 = tpu.memref_slice %arg5[%dma_wait3A_725, %dma_wait3A_726] : memref<32x1000000xf32, #tpu.memory_space<hbm>> -> memref<32x128xf32, #tpu.memory_space<hbm>>
      %dma_wait3A_728 = arith.constant 0 : i32
      %dma_wait3A_729 = arith.constant 0 : i32
      %dma_wait3A_730 = tpu.memref_slice %arg10[%dma_wait3A_720, %dma_wait3A_728, %dma_wait3A_729] : memref<8x32x128xf32, #tpu.memory_space<vmem>> -> memref<1x32x128xf32, #tpu.memory_space<vmem>>
      %dma_wait3A_731 = tpu.memref_squeeze %dma_wait3A_730 : memref<1x32x128xf32, #tpu.memory_space<vmem>> -> memref<32x128xf32, #tpu.memory_space<vmem>>
      %dma_wait3A_732 = arith.constant 0 : i32
      %dma_wait3A_733 = arith.constant 0 : i32
      %dma_wait3A_734 = tpu.memref_slice %arg5[%dma_wait3A_732, %dma_wait3A_733] : memref<32x1000000xf32, #tpu.memory_space<hbm>> -> memref<32x128xf32, #tpu.memory_space<hbm>>
      tpu.wait_dma2 semaphore(%arg24 : memref<!tpu.dma_semaphore, #tpu.memory_space<semaphore_mem>>) src(%dma_wait3A_734 : memref<32x128xf32, #tpu.memory_space<hbm>>) dst(%dma_wait3A_731 : memref<32x128xf32, #tpu.memory_space<vmem>>)
      %get3A_735 = arith.index_cast %add3A_704 : i32 to index
      %get3A_736 = tpu.vector_load %arg7[%get3A_735] {strides = array<i32>} : memref<528xi32, #tpu.memory_space<vmem>>, vector<16xi32>,
      %slice3A_737 = vector.extract_strided_slice %get3A_736 {offsets = [0], sizes = [1], strides = [1]} : vector<16xi32> to vector<1xi32>
      %squeeze3A_738 = vector.extract %slice3A_737[0] : i32 from vector<1xi32>
      %and3A_739 = arith.constant 127 : i32
      %and3A_740 = arith.andi %squeeze3A_738, %and3A_739 : i32
      %broadcast_in_dim3A_741 = vector.broadcast %and3A_740 : i32 to vector<16xi32>
      %get3A_742 = arith.index_cast %add3A_704 : i32 to index
      %get3A_743 = tpu.vector_load %arg8[%get3A_742] {strides = array<i32>} : memref<528xi32, #tpu.memory_space<vmem>>, vector<16xi32>,
      %slice3A_744 = vector.extract_strided_slice %get3A_743 {offsets = [0], sizes = [1], strides = [1]} : vector<16xi32> to vector<1xi32>
      %squeeze3A_745 = vector.extract %slice3A_744[0] : i32 from vector<1xi32>
      %and3A_746 = arith.constant 127 : i32
      %and3A_747 = arith.andi %squeeze3A_745, %and3A_746 : i32
      %broadcast_in_dim3A_748 = vector.broadcast %and3A_747 : i32 to vector<16xi32>
      %gather3A_749 = arith.constant 4 : i32
      %gather3A_750 = arith.constant 0 : i32
      %gather3A_751 = arith.constant 0 : i32
      %gather3A_752 = tpu.memref_slice %arg9[%gather3A_749, %gather3A_750, %gather3A_751] : memref<8x32x128xf32, #tpu.memory_space<vmem>> -> memref<1x32x128xf32, #tpu.memory_space<vmem>>
      %gather3A_753 = tpu.memref_squeeze %gather3A_752 : memref<1x32x128xf32, #tpu.memory_space<vmem>> -> memref<32x128xf32, #tpu.memory_space<vmem>>
      %gather3A_754 = tpu.vector_load_idx %gather3A_753[%iota3A, %broadcast_in_dim3A_741] : memref<32x128xf32, #tpu.memory_space<vmem>>[vector<16xi32>, vector<16xi32>], vector<16xf32>,
      %gather3A_755 = arith.constant 4 : i32
      %gather3A_756 = arith.constant 0 : i32
      %gather3A_757 = arith.constant 0 : i32
      %gather3A_758 = tpu.memref_slice %arg10[%gather3A_755, %gather3A_756, %gather3A_757] : memref<8x32x128xf32, #tpu.memory_space<vmem>> -> memref<1x32x128xf32, #tpu.memory_space<vmem>>
      %gather3A_759 = tpu.memref_squeeze %gather3A_758 : memref<1x32x128xf32, #tpu.memory_space<vmem>> -> memref<32x128xf32, #tpu.memory_space<vmem>>
      %gather3A_760 = tpu.vector_load_idx %gather3A_759[%iota3A, %broadcast_in_dim3A_748] : memref<32x128xf32, #tpu.memory_space<vmem>>[vector<16xi32>, vector<16xi32>], vector<16xf32>,
      %mul3A_761 = arith.mulf %gather3A_754, %gather3A_760 : vector<16xf32>
      %gather3A_762 = arith.constant 4 : i32
      %gather3A_763 = arith.constant 0 : i32
      %gather3A_764 = arith.constant 0 : i32
      %gather3A_765 = tpu.memref_slice %arg9[%gather3A_762, %gather3A_763, %gather3A_764] : memref<8x32x128xf32, #tpu.memory_space<vmem>> -> memref<1x32x128xf32, #tpu.memory_space<vmem>>
      %gather3A_766 = tpu.memref_squeeze %gather3A_765 : memref<1x32x128xf32, #tpu.memory_space<vmem>> -> memref<32x128xf32, #tpu.memory_space<vmem>>
      %gather3A_767 = tpu.vector_load_idx %gather3A_766[%add3A_5, %broadcast_in_dim3A_741] : memref<32x128xf32, #tpu.memory_space<vmem>>[vector<16xi32>, vector<16xi32>], vector<16xf32>,
      %gather3A_768 = arith.constant 4 : i32
      %gather3A_769 = arith.constant 0 : i32
      %gather3A_770 = arith.constant 0 : i32
      %gather3A_771 = tpu.memref_slice %arg10[%gather3A_768, %gather3A_769, %gather3A_770] : memref<8x32x128xf32, #tpu.memory_space<vmem>> -> memref<1x32x128xf32, #tpu.memory_space<vmem>>
      %gather3A_772 = tpu.memref_squeeze %gather3A_771 : memref<1x32x128xf32, #tpu.memory_space<vmem>> -> memref<32x128xf32, #tpu.memory_space<vmem>>
      %gather3A_773 = tpu.vector_load_idx %gather3A_772[%add3A_5, %broadcast_in_dim3A_748] : memref<32x128xf32, #tpu.memory_space<vmem>>[vector<16xi32>, vector<16xi32>], vector<16xf32>,
      %mul3A_774 = arith.mulf %gather3A_767, %gather3A_773 : vector<16xf32>
      %add3A_775 = arith.addf %mul3A_761, %mul3A_774 : vector<16xf32>
      %broadcast_in_dim3A_776 = arith.constant true
      %broadcast_in_dim3A_777 = vector.broadcast %broadcast_in_dim3A_776 : i1 to vector<16xi1>
      %masked_cumsum3A_778 = tpu.scan <sum>, %add3A_775 masked %broadcast_in_dim3A_777 : vector<16xf32>, vector<16xi1> -> vector<16xf32>
      %swap3A_779 = arith.index_cast %add3A_704 : i32 to index
      %swap3A_780 = tpu.vector_load %arg11[%swap3A_779] masked %eq3A_7 {strides = array<i32>} : memref<528xf32, #tpu.memory_space<vmem>>, vector<16xf32>, vector<16xi1>
      tpu.vector_store %arg11[%swap3A_779], %masked_cumsum3A_778 masked %eq3A_7 {strides = array<i32>} : memref<528xf32, #tpu.memory_space<vmem>>, vector<16xf32>, vector<16xi1>
      %add3A_781 = arith.constant 4 : i32
      %add3A_782 = arith.addi %mul3A_363, %add3A_781 : i32
      %add3A_783 = arith.constant 8 : i32
      %add3A_784 = arith.addi %add3A_782, %add3A_783 : i32
      %lt3A_785 = arith.constant 512 : i32
      %lt3A_786 = arith.cmpi slt, %add3A_784, %lt3A_785 : i32
      %convert_element_type3A_787 = arith.extui %lt3A_786 : i1 to i32
      %cond3A_788 = arith.constant 0 : i32
      %cond3A_789 = arith.cmpi ne, %convert_element_type3A_787, %cond3A_788 : i32
      scf.if %cond3A_789 {
        %add3A_1052 = arith.constant 4 : i32
        %add3A_1053 = arith.addi %mul3A_363, %add3A_1052 : i32
        %add3A_1054 = arith.constant 8 : i32
        %add3A_1055 = arith.addi %add3A_1053, %add3A_1054 : i32
        %get3A_1056 = arith.index_cast %add3A_1055 : i32 to index
        %get3A_1057 = tpu.vector_load %arg7[%get3A_1056] {strides = array<i32>} : memref<528xi32, #tpu.memory_space<vmem>>, vector<16xi32>,
        %slice3A_1058 = vector.extract_strided_slice %get3A_1057 {offsets = [0], sizes = [1], strides = [1]} : vector<16xi32> to vector<1xi32>
        %squeeze3A_1059 = vector.extract %slice3A_1058[0] : i32 from vector<1xi32>
        %get3A_1060 = arith.index_cast %add3A_1055 : i32 to index
        %get3A_1061 = tpu.vector_load %arg8[%get3A_1060] {strides = array<i32>} : memref<528xi32, #tpu.memory_space<vmem>>, vector<16xi32>,
        %slice3A_1062 = vector.extract_strided_slice %get3A_1061 {offsets = [0], sizes = [1], strides = [1]} : vector<16xi32> to vector<1xi32>
        %squeeze3A_1063 = vector.extract %slice3A_1062[0] : i32 from vector<1xi32>
        %shift_right_arithmetic3A_1064 = arith.constant 7 : i32
        %shift_right_arithmetic3A_1065 = arith.shrsi %squeeze3A_1059, %shift_right_arithmetic3A_1064 : i32
        %mul3A_1066 = arith.constant 128 : i32
        %mul3A_1067 = arith.muli %shift_right_arithmetic3A_1065, %mul3A_1066 : i32
        %multiple_of3A_1068 = tpu.assume_multiple %mul3A_1067, 128 : i32
        %shift_right_arithmetic3A_1069 = arith.constant 7 : i32
        %shift_right_arithmetic3A_1070 = arith.shrsi %squeeze3A_1063, %shift_right_arithmetic3A_1069 : i32
        %mul3A_1071 = arith.constant 128 : i32
        %mul3A_1072 = arith.muli %shift_right_arithmetic3A_1070, %mul3A_1071 : i32
        %multiple_of3A_1073 = tpu.assume_multiple %mul3A_1072, 128 : i32
        %dma_start3A_1074 = arith.constant 4 : i32
        %dma_start3A_1075 = arith.constant 0 : i32
        %dma_start3A_1076 = arith.constant 0 : i32
        %dma_start3A_1077 = tpu.memref_slice %arg9[%dma_start3A_1074, %dma_start3A_1075, %dma_start3A_1076] : memref<8x32x128xf32, #tpu.memory_space<vmem>> -> memref<1x32x128xf32, #tpu.memory_space<vmem>>
        %dma_start3A_1078 = tpu.memref_squeeze %dma_start3A_1077 : memref<1x32x128xf32, #tpu.memory_space<vmem>> -> memref<32x128xf32, #tpu.memory_space<vmem>>
        %dma_start3A_1079 = arith.constant 0 : i32
        %dma_start3A_1080 = tpu.memref_slice %arg4[%dma_start3A_1079, %multiple_of3A_1068] : memref<32x1000000xf32, #tpu.memory_space<hbm>> -> memref<32x128xf32, #tpu.memory_space<hbm>>
        %dma_start3A_1081 = arith.constant 0 : i32
        %dma_start3A_1082 = arith.constant 0 : i32
        %dma_start3A_1083 = tpu.memref_slice %arg9[%dma_start3A_1074, %dma_start3A_1081, %dma_start3A_1082] : memref<8x32x128xf32, #tpu.memory_space<vmem>> -> memref<1x32x128xf32, #tpu.memory_space<vmem>>
        %dma_start3A_1084 = tpu.memref_squeeze %dma_start3A_1083 : memref<1x32x128xf32, #tpu.memory_space<vmem>> -> memref<32x128xf32, #tpu.memory_space<vmem>>
        %dma_start3A_1085 = arith.constant 0 : i32
        %dma_start3A_1086 = tpu.memref_slice %arg4[%dma_start3A_1085, %multiple_of3A_1068] : memref<32x1000000xf32, #tpu.memory_space<hbm>> -> memref<32x128xf32, #tpu.memory_space<hbm>>
        tpu.enqueue_dma source(%dma_start3A_1086 : memref<32x128xf32, #tpu.memory_space<hbm>>) target(%dma_start3A_1084 : memref<32x128xf32, #tpu.memory_space<vmem>>) target_semaphore(%arg16 : memref<!tpu.dma_semaphore, #tpu.memory_space<semaphore_mem>>)
        %dma_start3A_1087 = arith.constant 4 : i32
        %dma_start3A_1088 = arith.constant 0 : i32
        %dma_start3A_1089 = arith.constant 0 : i32
        %dma_start3A_1090 = tpu.memref_slice %arg10[%dma_start3A_1087, %dma_start3A_1088, %dma_start3A_1089] : memref<8x32x128xf32, #tpu.memory_space<vmem>> -> memref<1x32x128xf32, #tpu.memory_space<vmem>>
        %dma_start3A_1091 = tpu.memref_squeeze %dma_start3A_1090 : memref<1x32x128xf32, #tpu.memory_space<vmem>> -> memref<32x128xf32, #tpu.memory_space<vmem>>
        %dma_start3A_1092 = arith.constant 0 : i32
        %dma_start3A_1093 = tpu.memref_slice %arg5[%dma_start3A_1092, %multiple_of3A_1073] : memref<32x1000000xf32, #tpu.memory_space<hbm>> -> memref<32x128xf32, #tpu.memory_space<hbm>>
        %dma_start3A_1094 = arith.constant 0 : i32
        %dma_start3A_1095 = arith.constant 0 : i32
        %dma_start3A_1096 = tpu.memref_slice %arg10[%dma_start3A_1087, %dma_start3A_1094, %dma_start3A_1095] : memref<8x32x128xf32, #tpu.memory_space<vmem>> -> memref<1x32x128xf32, #tpu.memory_space<vmem>>
        %dma_start3A_1097 = tpu.memref_squeeze %dma_start3A_1096 : memref<1x32x128xf32, #tpu.memory_space<vmem>> -> memref<32x128xf32, #tpu.memory_space<vmem>>
        %dma_start3A_1098 = arith.constant 0 : i32
        %dma_start3A_1099 = tpu.memref_slice %arg5[%dma_start3A_1098, %multiple_of3A_1073] : memref<32x1000000xf32, #tpu.memory_space<hbm>> -> memref<32x128xf32, #tpu.memory_space<hbm>>
        tpu.enqueue_dma source(%dma_start3A_1099 : memref<32x128xf32, #tpu.memory_space<hbm>>) target(%dma_start3A_1097 : memref<32x128xf32, #tpu.memory_space<vmem>>) target_semaphore(%arg24 : memref<!tpu.dma_semaphore, #tpu.memory_space<semaphore_mem>>)
      } else {
      }
      %add3A_790 = arith.constant 5 : i32
      %add3A_791 = arith.addi %mul3A_363, %add3A_790 : i32
      %dma_wait3A_792 = arith.constant 5 : i32
      %dma_wait3A_793 = arith.constant 0 : i32
      %dma_wait3A_794 = arith.constant 0 : i32
      %dma_wait3A_795 = tpu.memref_slice %arg9[%dma_wait3A_792, %dma_wait3A_793, %dma_wait3A_794] : memref<8x32x128xf32, #tpu.memory_space<vmem>> -> memref<1x32x128xf32, #tpu.memory_space<vmem>>
      %dma_wait3A_796 = tpu.memref_squeeze %dma_wait3A_795 : memref<1x32x128xf32, #tpu.memory_space<vmem>> -> memref<32x128xf32, #tpu.memory_space<vmem>>
      %dma_wait3A_797 = arith.constant 0 : i32
      %dma_wait3A_798 = arith.constant 0 : i32
      %dma_wait3A_799 = tpu.memref_slice %arg4[%dma_wait3A_797, %dma_wait3A_798] : memref<32x1000000xf32, #tpu.memory_space<hbm>> -> memref<32x128xf32, #tpu.memory_space<hbm>>
      %dma_wait3A_800 = arith.constant 0 : i32
      %dma_wait3A_801 = arith.constant 0 : i32
      %dma_wait3A_802 = tpu.memref_slice %arg9[%dma_wait3A_792, %dma_wait3A_800, %dma_wait3A_801] : memref<8x32x128xf32, #tpu.memory_space<vmem>> -> memref<1x32x128xf32, #tpu.memory_space<vmem>>
      %dma_wait3A_803 = tpu.memref_squeeze %dma_wait3A_802 : memref<1x32x128xf32, #tpu.memory_space<vmem>> -> memref<32x128xf32, #tpu.memory_space<vmem>>
      %dma_wait3A_804 = arith.constant 0 : i32
      %dma_wait3A_805 = arith.constant 0 : i32
      %dma_wait3A_806 = tpu.memref_slice %arg4[%dma_wait3A_804, %dma_wait3A_805] : memref<32x1000000xf32, #tpu.memory_space<hbm>> -> memref<32x128xf32, #tpu.memory_space<hbm>>
      tpu.wait_dma2 semaphore(%arg17 : memref<!tpu.dma_semaphore, #tpu.memory_space<semaphore_mem>>) src(%dma_wait3A_806 : memref<32x128xf32, #tpu.memory_space<hbm>>) dst(%dma_wait3A_803 : memref<32x128xf32, #tpu.memory_space<vmem>>)
      %dma_wait3A_807 = arith.constant 5 : i32
      %dma_wait3A_808 = arith.constant 0 : i32
      %dma_wait3A_809 = arith.constant 0 : i32
      %dma_wait3A_810 = tpu.memref_slice %arg10[%dma_wait3A_807, %dma_wait3A_808, %dma_wait3A_809] : memref<8x32x128xf32, #tpu.memory_space<vmem>> -> memref<1x32x128xf32, #tpu.memory_space<vmem>>
      %dma_wait3A_811 = tpu.memref_squeeze %dma_wait3A_810 : memref<1x32x128xf32, #tpu.memory_space<vmem>> -> memref<32x128xf32, #tpu.memory_space<vmem>>
      %dma_wait3A_812 = arith.constant 0 : i32
      %dma_wait3A_813 = arith.constant 0 : i32
      %dma_wait3A_814 = tpu.memref_slice %arg5[%dma_wait3A_812, %dma_wait3A_813] : memref<32x1000000xf32, #tpu.memory_space<hbm>> -> memref<32x128xf32, #tpu.memory_space<hbm>>
      %dma_wait3A_815 = arith.constant 0 : i32
      %dma_wait3A_816 = arith.constant 0 : i32
      %dma_wait3A_817 = tpu.memref_slice %arg10[%dma_wait3A_807, %dma_wait3A_815, %dma_wait3A_816] : memref<8x32x128xf32, #tpu.memory_space<vmem>> -> memref<1x32x128xf32, #tpu.memory_space<vmem>>
      %dma_wait3A_818 = tpu.memref_squeeze %dma_wait3A_817 : memref<1x32x128xf32, #tpu.memory_space<vmem>> -> memref<32x128xf32, #tpu.memory_space<vmem>>
      %dma_wait3A_819 = arith.constant 0 : i32
      %dma_wait3A_820 = arith.constant 0 : i32
      %dma_wait3A_821 = tpu.memref_slice %arg5[%dma_wait3A_819, %dma_wait3A_820] : memref<32x1000000xf32, #tpu.memory_space<hbm>> -> memref<32x128xf32, #tpu.memory_space<hbm>>
      tpu.wait_dma2 semaphore(%arg25 : memref<!tpu.dma_semaphore, #tpu.memory_space<semaphore_mem>>) src(%dma_wait3A_821 : memref<32x128xf32, #tpu.memory_space<hbm>>) dst(%dma_wait3A_818 : memref<32x128xf32, #tpu.memory_space<vmem>>)
      %get3A_822 = arith.index_cast %add3A_791 : i32 to index
      %get3A_823 = tpu.vector_load %arg7[%get3A_822] {strides = array<i32>} : memref<528xi32, #tpu.memory_space<vmem>>, vector<16xi32>,
      %slice3A_824 = vector.extract_strided_slice %get3A_823 {offsets = [0], sizes = [1], strides = [1]} : vector<16xi32> to vector<1xi32>
      %squeeze3A_825 = vector.extract %slice3A_824[0] : i32 from vector<1xi32>
      %and3A_826 = arith.constant 127 : i32
      %and3A_827 = arith.andi %squeeze3A_825, %and3A_826 : i32
      %broadcast_in_dim3A_828 = vector.broadcast %and3A_827 : i32 to vector<16xi32>
      %get3A_829 = arith.index_cast %add3A_791 : i32 to index
      %get3A_830 = tpu.vector_load %arg8[%get3A_829] {strides = array<i32>} : memref<528xi32, #tpu.memory_space<vmem>>, vector<16xi32>,
      %slice3A_831 = vector.extract_strided_slice %get3A_830 {offsets = [0], sizes = [1], strides = [1]} : vector<16xi32> to vector<1xi32>
      %squeeze3A_832 = vector.extract %slice3A_831[0] : i32 from vector<1xi32>
      %and3A_833 = arith.constant 127 : i32
      %and3A_834 = arith.andi %squeeze3A_832, %and3A_833 : i32
      %broadcast_in_dim3A_835 = vector.broadcast %and3A_834 : i32 to vector<16xi32>
      %gather3A_836 = arith.constant 5 : i32
      %gather3A_837 = arith.constant 0 : i32
      %gather3A_838 = arith.constant 0 : i32
      %gather3A_839 = tpu.memref_slice %arg9[%gather3A_836, %gather3A_837, %gather3A_838] : memref<8x32x128xf32, #tpu.memory_space<vmem>> -> memref<1x32x128xf32, #tpu.memory_space<vmem>>
      %gather3A_840 = tpu.memref_squeeze %gather3A_839 : memref<1x32x128xf32, #tpu.memory_space<vmem>> -> memref<32x128xf32, #tpu.memory_space<vmem>>
      %gather3A_841 = tpu.vector_load_idx %gather3A_840[%iota3A, %broadcast_in_dim3A_828] : memref<32x128xf32, #tpu.memory_space<vmem>>[vector<16xi32>, vector<16xi32>], vector<16xf32>,
      %gather3A_842 = arith.constant 5 : i32
      %gather3A_843 = arith.constant 0 : i32
      %gather3A_844 = arith.constant 0 : i32
      %gather3A_845 = tpu.memref_slice %arg10[%gather3A_842, %gather3A_843, %gather3A_844] : memref<8x32x128xf32, #tpu.memory_space<vmem>> -> memref<1x32x128xf32, #tpu.memory_space<vmem>>
      %gather3A_846 = tpu.memref_squeeze %gather3A_845 : memref<1x32x128xf32, #tpu.memory_space<vmem>> -> memref<32x128xf32, #tpu.memory_space<vmem>>
      %gather3A_847 = tpu.vector_load_idx %gather3A_846[%iota3A, %broadcast_in_dim3A_835] : memref<32x128xf32, #tpu.memory_space<vmem>>[vector<16xi32>, vector<16xi32>], vector<16xf32>,
      %mul3A_848 = arith.mulf %gather3A_841, %gather3A_847 : vector<16xf32>
      %gather3A_849 = arith.constant 5 : i32
      %gather3A_850 = arith.constant 0 : i32
      %gather3A_851 = arith.constant 0 : i32
      %gather3A_852 = tpu.memref_slice %arg9[%gather3A_849, %gather3A_850, %gather3A_851] : memref<8x32x128xf32, #tpu.memory_space<vmem>> -> memref<1x32x128xf32, #tpu.memory_space<vmem>>
      %gather3A_853 = tpu.memref_squeeze %gather3A_852 : memref<1x32x128xf32, #tpu.memory_space<vmem>> -> memref<32x128xf32, #tpu.memory_space<vmem>>
      %gather3A_854 = tpu.vector_load_idx %gather3A_853[%add3A_5, %broadcast_in_dim3A_828] : memref<32x128xf32, #tpu.memory_space<vmem>>[vector<16xi32>, vector<16xi32>], vector<16xf32>,
      %gather3A_855 = arith.constant 5 : i32
      %gather3A_856 = arith.constant 0 : i32
      %gather3A_857 = arith.constant 0 : i32
      %gather3A_858 = tpu.memref_slice %arg10[%gather3A_855, %gather3A_856, %gather3A_857] : memref<8x32x128xf32, #tpu.memory_space<vmem>> -> memref<1x32x128xf32, #tpu.memory_space<vmem>>
      %gather3A_859 = tpu.memref_squeeze %gather3A_858 : memref<1x32x128xf32, #tpu.memory_space<vmem>> -> memref<32x128xf32, #tpu.memory_space<vmem>>
      %gather3A_860 = tpu.vector_load_idx %gather3A_859[%add3A_5, %broadcast_in_dim3A_835] : memref<32x128xf32, #tpu.memory_space<vmem>>[vector<16xi32>, vector<16xi32>], vector<16xf32>,
      %mul3A_861 = arith.mulf %gather3A_854, %gather3A_860 : vector<16xf32>
      %add3A_862 = arith.addf %mul3A_848, %mul3A_861 : vector<16xf32>
      %broadcast_in_dim3A_863 = arith.constant true
      %broadcast_in_dim3A_864 = vector.broadcast %broadcast_in_dim3A_863 : i1 to vector<16xi1>
      %masked_cumsum3A_865 = tpu.scan <sum>, %add3A_862 masked %broadcast_in_dim3A_864 : vector<16xf32>, vector<16xi1> -> vector<16xf32>
      %swap3A_866 = arith.index_cast %add3A_791 : i32 to index
      %swap3A_867 = tpu.vector_load %arg11[%swap3A_866] masked %eq3A_7 {strides = array<i32>} : memref<528xf32, #tpu.memory_space<vmem>>, vector<16xf32>, vector<16xi1>
      tpu.vector_store %arg11[%swap3A_866], %masked_cumsum3A_865 masked %eq3A_7 {strides = array<i32>} : memref<528xf32, #tpu.memory_space<vmem>>, vector<16xf32>, vector<16xi1>
      %add3A_868 = arith.constant 5 : i32
      %add3A_869 = arith.addi %mul3A_363, %add3A_868 : i32
      %add3A_870 = arith.constant 8 : i32
      %add3A_871 = arith.addi %add3A_869, %add3A_870 : i32
      %lt3A_872 = arith.constant 512 : i32
      %lt3A_873 = arith.cmpi slt, %add3A_871, %lt3A_872 : i32
      %convert_element_type3A_874 = arith.extui %lt3A_873 : i1 to i32
      %cond3A_875 = arith.constant 0 : i32
      %cond3A_876 = arith.cmpi ne, %convert_element_type3A_874, %cond3A_875 : i32
      scf.if %cond3A_876 {
        %add3A_1052 = arith.constant 5 : i32
        %add3A_1053 = arith.addi %mul3A_363, %add3A_1052 : i32
        %add3A_1054 = arith.constant 8 : i32
        %add3A_1055 = arith.addi %add3A_1053, %add3A_1054 : i32
        %get3A_1056 = arith.index_cast %add3A_1055 : i32 to index
        %get3A_1057 = tpu.vector_load %arg7[%get3A_1056] {strides = array<i32>} : memref<528xi32, #tpu.memory_space<vmem>>, vector<16xi32>,
        %slice3A_1058 = vector.extract_strided_slice %get3A_1057 {offsets = [0], sizes = [1], strides = [1]} : vector<16xi32> to vector<1xi32>
        %squeeze3A_1059 = vector.extract %slice3A_1058[0] : i32 from vector<1xi32>
        %get3A_1060 = arith.index_cast %add3A_1055 : i32 to index
        %get3A_1061 = tpu.vector_load %arg8[%get3A_1060] {strides = array<i32>} : memref<528xi32, #tpu.memory_space<vmem>>, vector<16xi32>,
        %slice3A_1062 = vector.extract_strided_slice %get3A_1061 {offsets = [0], sizes = [1], strides = [1]} : vector<16xi32> to vector<1xi32>
        %squeeze3A_1063 = vector.extract %slice3A_1062[0] : i32 from vector<1xi32>
        %shift_right_arithmetic3A_1064 = arith.constant 7 : i32
        %shift_right_arithmetic3A_1065 = arith.shrsi %squeeze3A_1059, %shift_right_arithmetic3A_1064 : i32
        %mul3A_1066 = arith.constant 128 : i32
        %mul3A_1067 = arith.muli %shift_right_arithmetic3A_1065, %mul3A_1066 : i32
        %multiple_of3A_1068 = tpu.assume_multiple %mul3A_1067, 128 : i32
        %shift_right_arithmetic3A_1069 = arith.constant 7 : i32
        %shift_right_arithmetic3A_1070 = arith.shrsi %squeeze3A_1063, %shift_right_arithmetic3A_1069 : i32
        %mul3A_1071 = arith.constant 128 : i32
        %mul3A_1072 = arith.muli %shift_right_arithmetic3A_1070, %mul3A_1071 : i32
        %multiple_of3A_1073 = tpu.assume_multiple %mul3A_1072, 128 : i32
        %dma_start3A_1074 = arith.constant 5 : i32
        %dma_start3A_1075 = arith.constant 0 : i32
        %dma_start3A_1076 = arith.constant 0 : i32
        %dma_start3A_1077 = tpu.memref_slice %arg9[%dma_start3A_1074, %dma_start3A_1075, %dma_start3A_1076] : memref<8x32x128xf32, #tpu.memory_space<vmem>> -> memref<1x32x128xf32, #tpu.memory_space<vmem>>
        %dma_start3A_1078 = tpu.memref_squeeze %dma_start3A_1077 : memref<1x32x128xf32, #tpu.memory_space<vmem>> -> memref<32x128xf32, #tpu.memory_space<vmem>>
        %dma_start3A_1079 = arith.constant 0 : i32
        %dma_start3A_1080 = tpu.memref_slice %arg4[%dma_start3A_1079, %multiple_of3A_1068] : memref<32x1000000xf32, #tpu.memory_space<hbm>> -> memref<32x128xf32, #tpu.memory_space<hbm>>
        %dma_start3A_1081 = arith.constant 0 : i32
        %dma_start3A_1082 = arith.constant 0 : i32
        %dma_start3A_1083 = tpu.memref_slice %arg9[%dma_start3A_1074, %dma_start3A_1081, %dma_start3A_1082] : memref<8x32x128xf32, #tpu.memory_space<vmem>> -> memref<1x32x128xf32, #tpu.memory_space<vmem>>
        %dma_start3A_1084 = tpu.memref_squeeze %dma_start3A_1083 : memref<1x32x128xf32, #tpu.memory_space<vmem>> -> memref<32x128xf32, #tpu.memory_space<vmem>>
        %dma_start3A_1085 = arith.constant 0 : i32
        %dma_start3A_1086 = tpu.memref_slice %arg4[%dma_start3A_1085, %multiple_of3A_1068] : memref<32x1000000xf32, #tpu.memory_space<hbm>> -> memref<32x128xf32, #tpu.memory_space<hbm>>
        tpu.enqueue_dma source(%dma_start3A_1086 : memref<32x128xf32, #tpu.memory_space<hbm>>) target(%dma_start3A_1084 : memref<32x128xf32, #tpu.memory_space<vmem>>) target_semaphore(%arg17 : memref<!tpu.dma_semaphore, #tpu.memory_space<semaphore_mem>>)
        %dma_start3A_1087 = arith.constant 5 : i32
        %dma_start3A_1088 = arith.constant 0 : i32
        %dma_start3A_1089 = arith.constant 0 : i32
        %dma_start3A_1090 = tpu.memref_slice %arg10[%dma_start3A_1087, %dma_start3A_1088, %dma_start3A_1089] : memref<8x32x128xf32, #tpu.memory_space<vmem>> -> memref<1x32x128xf32, #tpu.memory_space<vmem>>
        %dma_start3A_1091 = tpu.memref_squeeze %dma_start3A_1090 : memref<1x32x128xf32, #tpu.memory_space<vmem>> -> memref<32x128xf32, #tpu.memory_space<vmem>>
        %dma_start3A_1092 = arith.constant 0 : i32
        %dma_start3A_1093 = tpu.memref_slice %arg5[%dma_start3A_1092, %multiple_of3A_1073] : memref<32x1000000xf32, #tpu.memory_space<hbm>> -> memref<32x128xf32, #tpu.memory_space<hbm>>
        %dma_start3A_1094 = arith.constant 0 : i32
        %dma_start3A_1095 = arith.constant 0 : i32
        %dma_start3A_1096 = tpu.memref_slice %arg10[%dma_start3A_1087, %dma_start3A_1094, %dma_start3A_1095] : memref<8x32x128xf32, #tpu.memory_space<vmem>> -> memref<1x32x128xf32, #tpu.memory_space<vmem>>
        %dma_start3A_1097 = tpu.memref_squeeze %dma_start3A_1096 : memref<1x32x128xf32, #tpu.memory_space<vmem>> -> memref<32x128xf32, #tpu.memory_space<vmem>>
        %dma_start3A_1098 = arith.constant 0 : i32
        %dma_start3A_1099 = tpu.memref_slice %arg5[%dma_start3A_1098, %multiple_of3A_1073] : memref<32x1000000xf32, #tpu.memory_space<hbm>> -> memref<32x128xf32, #tpu.memory_space<hbm>>
        tpu.enqueue_dma source(%dma_start3A_1099 : memref<32x128xf32, #tpu.memory_space<hbm>>) target(%dma_start3A_1097 : memref<32x128xf32, #tpu.memory_space<vmem>>) target_semaphore(%arg25 : memref<!tpu.dma_semaphore, #tpu.memory_space<semaphore_mem>>)
      } else {
      }
      %add3A_877 = arith.constant 6 : i32
      %add3A_878 = arith.addi %mul3A_363, %add3A_877 : i32
      %dma_wait3A_879 = arith.constant 6 : i32
      %dma_wait3A_880 = arith.constant 0 : i32
      %dma_wait3A_881 = arith.constant 0 : i32
      %dma_wait3A_882 = tpu.memref_slice %arg9[%dma_wait3A_879, %dma_wait3A_880, %dma_wait3A_881] : memref<8x32x128xf32, #tpu.memory_space<vmem>> -> memref<1x32x128xf32, #tpu.memory_space<vmem>>
      %dma_wait3A_883 = tpu.memref_squeeze %dma_wait3A_882 : memref<1x32x128xf32, #tpu.memory_space<vmem>> -> memref<32x128xf32, #tpu.memory_space<vmem>>
      %dma_wait3A_884 = arith.constant 0 : i32
      %dma_wait3A_885 = arith.constant 0 : i32
      %dma_wait3A_886 = tpu.memref_slice %arg4[%dma_wait3A_884, %dma_wait3A_885] : memref<32x1000000xf32, #tpu.memory_space<hbm>> -> memref<32x128xf32, #tpu.memory_space<hbm>>
      %dma_wait3A_887 = arith.constant 0 : i32
      %dma_wait3A_888 = arith.constant 0 : i32
      %dma_wait3A_889 = tpu.memref_slice %arg9[%dma_wait3A_879, %dma_wait3A_887, %dma_wait3A_888] : memref<8x32x128xf32, #tpu.memory_space<vmem>> -> memref<1x32x128xf32, #tpu.memory_space<vmem>>
      %dma_wait3A_890 = tpu.memref_squeeze %dma_wait3A_889 : memref<1x32x128xf32, #tpu.memory_space<vmem>> -> memref<32x128xf32, #tpu.memory_space<vmem>>
      %dma_wait3A_891 = arith.constant 0 : i32
      %dma_wait3A_892 = arith.constant 0 : i32
      %dma_wait3A_893 = tpu.memref_slice %arg4[%dma_wait3A_891, %dma_wait3A_892] : memref<32x1000000xf32, #tpu.memory_space<hbm>> -> memref<32x128xf32, #tpu.memory_space<hbm>>
      tpu.wait_dma2 semaphore(%arg18 : memref<!tpu.dma_semaphore, #tpu.memory_space<semaphore_mem>>) src(%dma_wait3A_893 : memref<32x128xf32, #tpu.memory_space<hbm>>) dst(%dma_wait3A_890 : memref<32x128xf32, #tpu.memory_space<vmem>>)
      %dma_wait3A_894 = arith.constant 6 : i32
      %dma_wait3A_895 = arith.constant 0 : i32
      %dma_wait3A_896 = arith.constant 0 : i32
      %dma_wait3A_897 = tpu.memref_slice %arg10[%dma_wait3A_894, %dma_wait3A_895, %dma_wait3A_896] : memref<8x32x128xf32, #tpu.memory_space<vmem>> -> memref<1x32x128xf32, #tpu.memory_space<vmem>>
      %dma_wait3A_898 = tpu.memref_squeeze %dma_wait3A_897 : memref<1x32x128xf32, #tpu.memory_space<vmem>> -> memref<32x128xf32, #tpu.memory_space<vmem>>
      %dma_wait3A_899 = arith.constant 0 : i32
      %dma_wait3A_900 = arith.constant 0 : i32
      %dma_wait3A_901 = tpu.memref_slice %arg5[%dma_wait3A_899, %dma_wait3A_900] : memref<32x1000000xf32, #tpu.memory_space<hbm>> -> memref<32x128xf32, #tpu.memory_space<hbm>>
      %dma_wait3A_902 = arith.constant 0 : i32
      %dma_wait3A_903 = arith.constant 0 : i32
      %dma_wait3A_904 = tpu.memref_slice %arg10[%dma_wait3A_894, %dma_wait3A_902, %dma_wait3A_903] : memref<8x32x128xf32, #tpu.memory_space<vmem>> -> memref<1x32x128xf32, #tpu.memory_space<vmem>>
      %dma_wait3A_905 = tpu.memref_squeeze %dma_wait3A_904 : memref<1x32x128xf32, #tpu.memory_space<vmem>> -> memref<32x128xf32, #tpu.memory_space<vmem>>
      %dma_wait3A_906 = arith.constant 0 : i32
      %dma_wait3A_907 = arith.constant 0 : i32
      %dma_wait3A_908 = tpu.memref_slice %arg5[%dma_wait3A_906, %dma_wait3A_907] : memref<32x1000000xf32, #tpu.memory_space<hbm>> -> memref<32x128xf32, #tpu.memory_space<hbm>>
      tpu.wait_dma2 semaphore(%arg26 : memref<!tpu.dma_semaphore, #tpu.memory_space<semaphore_mem>>) src(%dma_wait3A_908 : memref<32x128xf32, #tpu.memory_space<hbm>>) dst(%dma_wait3A_905 : memref<32x128xf32, #tpu.memory_space<vmem>>)
      %get3A_909 = arith.index_cast %add3A_878 : i32 to index
      %get3A_910 = tpu.vector_load %arg7[%get3A_909] {strides = array<i32>} : memref<528xi32, #tpu.memory_space<vmem>>, vector<16xi32>,
      %slice3A_911 = vector.extract_strided_slice %get3A_910 {offsets = [0], sizes = [1], strides = [1]} : vector<16xi32> to vector<1xi32>
      %squeeze3A_912 = vector.extract %slice3A_911[0] : i32 from vector<1xi32>
      %and3A_913 = arith.constant 127 : i32
      %and3A_914 = arith.andi %squeeze3A_912, %and3A_913 : i32
      %broadcast_in_dim3A_915 = vector.broadcast %and3A_914 : i32 to vector<16xi32>
      %get3A_916 = arith.index_cast %add3A_878 : i32 to index
      %get3A_917 = tpu.vector_load %arg8[%get3A_916] {strides = array<i32>} : memref<528xi32, #tpu.memory_space<vmem>>, vector<16xi32>,
      %slice3A_918 = vector.extract_strided_slice %get3A_917 {offsets = [0], sizes = [1], strides = [1]} : vector<16xi32> to vector<1xi32>
      %squeeze3A_919 = vector.extract %slice3A_918[0] : i32 from vector<1xi32>
      %and3A_920 = arith.constant 127 : i32
      %and3A_921 = arith.andi %squeeze3A_919, %and3A_920 : i32
      %broadcast_in_dim3A_922 = vector.broadcast %and3A_921 : i32 to vector<16xi32>
      %gather3A_923 = arith.constant 6 : i32
      %gather3A_924 = arith.constant 0 : i32
      %gather3A_925 = arith.constant 0 : i32
      %gather3A_926 = tpu.memref_slice %arg9[%gather3A_923, %gather3A_924, %gather3A_925] : memref<8x32x128xf32, #tpu.memory_space<vmem>> -> memref<1x32x128xf32, #tpu.memory_space<vmem>>
      %gather3A_927 = tpu.memref_squeeze %gather3A_926 : memref<1x32x128xf32, #tpu.memory_space<vmem>> -> memref<32x128xf32, #tpu.memory_space<vmem>>
      %gather3A_928 = tpu.vector_load_idx %gather3A_927[%iota3A, %broadcast_in_dim3A_915] : memref<32x128xf32, #tpu.memory_space<vmem>>[vector<16xi32>, vector<16xi32>], vector<16xf32>,
      %gather3A_929 = arith.constant 6 : i32
      %gather3A_930 = arith.constant 0 : i32
      %gather3A_931 = arith.constant 0 : i32
      %gather3A_932 = tpu.memref_slice %arg10[%gather3A_929, %gather3A_930, %gather3A_931] : memref<8x32x128xf32, #tpu.memory_space<vmem>> -> memref<1x32x128xf32, #tpu.memory_space<vmem>>
      %gather3A_933 = tpu.memref_squeeze %gather3A_932 : memref<1x32x128xf32, #tpu.memory_space<vmem>> -> memref<32x128xf32, #tpu.memory_space<vmem>>
      %gather3A_934 = tpu.vector_load_idx %gather3A_933[%iota3A, %broadcast_in_dim3A_922] : memref<32x128xf32, #tpu.memory_space<vmem>>[vector<16xi32>, vector<16xi32>], vector<16xf32>,
      %mul3A_935 = arith.mulf %gather3A_928, %gather3A_934 : vector<16xf32>
      %gather3A_936 = arith.constant 6 : i32
      %gather3A_937 = arith.constant 0 : i32
      %gather3A_938 = arith.constant 0 : i32
      %gather3A_939 = tpu.memref_slice %arg9[%gather3A_936, %gather3A_937, %gather3A_938] : memref<8x32x128xf32, #tpu.memory_space<vmem>> -> memref<1x32x128xf32, #tpu.memory_space<vmem>>
      %gather3A_940 = tpu.memref_squeeze %gather3A_939 : memref<1x32x128xf32, #tpu.memory_space<vmem>> -> memref<32x128xf32, #tpu.memory_space<vmem>>
      %gather3A_941 = tpu.vector_load_idx %gather3A_940[%add3A_5, %broadcast_in_dim3A_915] : memref<32x128xf32, #tpu.memory_space<vmem>>[vector<16xi32>, vector<16xi32>], vector<16xf32>,
      %gather3A_942 = arith.constant 6 : i32
      %gather3A_943 = arith.constant 0 : i32
      %gather3A_944 = arith.constant 0 : i32
      %gather3A_945 = tpu.memref_slice %arg10[%gather3A_942, %gather3A_943, %gather3A_944] : memref<8x32x128xf32, #tpu.memory_space<vmem>> -> memref<1x32x128xf32, #tpu.memory_space<vmem>>
      %gather3A_946 = tpu.memref_squeeze %gather3A_945 : memref<1x32x128xf32, #tpu.memory_space<vmem>> -> memref<32x128xf32, #tpu.memory_space<vmem>>
      %gather3A_947 = tpu.vector_load_idx %gather3A_946[%add3A_5, %broadcast_in_dim3A_922] : memref<32x128xf32, #tpu.memory_space<vmem>>[vector<16xi32>, vector<16xi32>], vector<16xf32>,
      %mul3A_948 = arith.mulf %gather3A_941, %gather3A_947 : vector<16xf32>
      %add3A_949 = arith.addf %mul3A_935, %mul3A_948 : vector<16xf32>
      %broadcast_in_dim3A_950 = arith.constant true
      %broadcast_in_dim3A_951 = vector.broadcast %broadcast_in_dim3A_950 : i1 to vector<16xi1>
      %masked_cumsum3A_952 = tpu.scan <sum>, %add3A_949 masked %broadcast_in_dim3A_951 : vector<16xf32>, vector<16xi1> -> vector<16xf32>
      %swap3A_953 = arith.index_cast %add3A_878 : i32 to index
      %swap3A_954 = tpu.vector_load %arg11[%swap3A_953] masked %eq3A_7 {strides = array<i32>} : memref<528xf32, #tpu.memory_space<vmem>>, vector<16xf32>, vector<16xi1>
      tpu.vector_store %arg11[%swap3A_953], %masked_cumsum3A_952 masked %eq3A_7 {strides = array<i32>} : memref<528xf32, #tpu.memory_space<vmem>>, vector<16xf32>, vector<16xi1>
      %add3A_955 = arith.constant 6 : i32
      %add3A_956 = arith.addi %mul3A_363, %add3A_955 : i32
      %add3A_957 = arith.constant 8 : i32
      %add3A_958 = arith.addi %add3A_956, %add3A_957 : i32
      %lt3A_959 = arith.constant 512 : i32
      %lt3A_960 = arith.cmpi slt, %add3A_958, %lt3A_959 : i32
      %convert_element_type3A_961 = arith.extui %lt3A_960 : i1 to i32
      %cond3A_962 = arith.constant 0 : i32
      %cond3A_963 = arith.cmpi ne, %convert_element_type3A_961, %cond3A_962 : i32
      scf.if %cond3A_963 {
        %add3A_1052 = arith.constant 6 : i32
        %add3A_1053 = arith.addi %mul3A_363, %add3A_1052 : i32
        %add3A_1054 = arith.constant 8 : i32
        %add3A_1055 = arith.addi %add3A_1053, %add3A_1054 : i32
        %get3A_1056 = arith.index_cast %add3A_1055 : i32 to index
        %get3A_1057 = tpu.vector_load %arg7[%get3A_1056] {strides = array<i32>} : memref<528xi32, #tpu.memory_space<vmem>>, vector<16xi32>,
        %slice3A_1058 = vector.extract_strided_slice %get3A_1057 {offsets = [0], sizes = [1], strides = [1]} : vector<16xi32> to vector<1xi32>
        %squeeze3A_1059 = vector.extract %slice3A_1058[0] : i32 from vector<1xi32>
        %get3A_1060 = arith.index_cast %add3A_1055 : i32 to index
        %get3A_1061 = tpu.vector_load %arg8[%get3A_1060] {strides = array<i32>} : memref<528xi32, #tpu.memory_space<vmem>>, vector<16xi32>,
        %slice3A_1062 = vector.extract_strided_slice %get3A_1061 {offsets = [0], sizes = [1], strides = [1]} : vector<16xi32> to vector<1xi32>
        %squeeze3A_1063 = vector.extract %slice3A_1062[0] : i32 from vector<1xi32>
        %shift_right_arithmetic3A_1064 = arith.constant 7 : i32
        %shift_right_arithmetic3A_1065 = arith.shrsi %squeeze3A_1059, %shift_right_arithmetic3A_1064 : i32
        %mul3A_1066 = arith.constant 128 : i32
        %mul3A_1067 = arith.muli %shift_right_arithmetic3A_1065, %mul3A_1066 : i32
        %multiple_of3A_1068 = tpu.assume_multiple %mul3A_1067, 128 : i32
        %shift_right_arithmetic3A_1069 = arith.constant 7 : i32
        %shift_right_arithmetic3A_1070 = arith.shrsi %squeeze3A_1063, %shift_right_arithmetic3A_1069 : i32
        %mul3A_1071 = arith.constant 128 : i32
        %mul3A_1072 = arith.muli %shift_right_arithmetic3A_1070, %mul3A_1071 : i32
        %multiple_of3A_1073 = tpu.assume_multiple %mul3A_1072, 128 : i32
        %dma_start3A_1074 = arith.constant 6 : i32
        %dma_start3A_1075 = arith.constant 0 : i32
        %dma_start3A_1076 = arith.constant 0 : i32
        %dma_start3A_1077 = tpu.memref_slice %arg9[%dma_start3A_1074, %dma_start3A_1075, %dma_start3A_1076] : memref<8x32x128xf32, #tpu.memory_space<vmem>> -> memref<1x32x128xf32, #tpu.memory_space<vmem>>
        %dma_start3A_1078 = tpu.memref_squeeze %dma_start3A_1077 : memref<1x32x128xf32, #tpu.memory_space<vmem>> -> memref<32x128xf32, #tpu.memory_space<vmem>>
        %dma_start3A_1079 = arith.constant 0 : i32
        %dma_start3A_1080 = tpu.memref_slice %arg4[%dma_start3A_1079, %multiple_of3A_1068] : memref<32x1000000xf32, #tpu.memory_space<hbm>> -> memref<32x128xf32, #tpu.memory_space<hbm>>
        %dma_start3A_1081 = arith.constant 0 : i32
        %dma_start3A_1082 = arith.constant 0 : i32
        %dma_start3A_1083 = tpu.memref_slice %arg9[%dma_start3A_1074, %dma_start3A_1081, %dma_start3A_1082] : memref<8x32x128xf32, #tpu.memory_space<vmem>> -> memref<1x32x128xf32, #tpu.memory_space<vmem>>
        %dma_start3A_1084 = tpu.memref_squeeze %dma_start3A_1083 : memref<1x32x128xf32, #tpu.memory_space<vmem>> -> memref<32x128xf32, #tpu.memory_space<vmem>>
        %dma_start3A_1085 = arith.constant 0 : i32
        %dma_start3A_1086 = tpu.memref_slice %arg4[%dma_start3A_1085, %multiple_of3A_1068] : memref<32x1000000xf32, #tpu.memory_space<hbm>> -> memref<32x128xf32, #tpu.memory_space<hbm>>
        tpu.enqueue_dma source(%dma_start3A_1086 : memref<32x128xf32, #tpu.memory_space<hbm>>) target(%dma_start3A_1084 : memref<32x128xf32, #tpu.memory_space<vmem>>) target_semaphore(%arg18 : memref<!tpu.dma_semaphore, #tpu.memory_space<semaphore_mem>>)
        %dma_start3A_1087 = arith.constant 6 : i32
        %dma_start3A_1088 = arith.constant 0 : i32
        %dma_start3A_1089 = arith.constant 0 : i32
        %dma_start3A_1090 = tpu.memref_slice %arg10[%dma_start3A_1087, %dma_start3A_1088, %dma_start3A_1089] : memref<8x32x128xf32, #tpu.memory_space<vmem>> -> memref<1x32x128xf32, #tpu.memory_space<vmem>>
        %dma_start3A_1091 = tpu.memref_squeeze %dma_start3A_1090 : memref<1x32x128xf32, #tpu.memory_space<vmem>> -> memref<32x128xf32, #tpu.memory_space<vmem>>
        %dma_start3A_1092 = arith.constant 0 : i32
        %dma_start3A_1093 = tpu.memref_slice %arg5[%dma_start3A_1092, %multiple_of3A_1073] : memref<32x1000000xf32, #tpu.memory_space<hbm>> -> memref<32x128xf32, #tpu.memory_space<hbm>>
        %dma_start3A_1094 = arith.constant 0 : i32
        %dma_start3A_1095 = arith.constant 0 : i32
        %dma_start3A_1096 = tpu.memref_slice %arg10[%dma_start3A_1087, %dma_start3A_1094, %dma_start3A_1095] : memref<8x32x128xf32, #tpu.memory_space<vmem>> -> memref<1x32x128xf32, #tpu.memory_space<vmem>>
        %dma_start3A_1097 = tpu.memref_squeeze %dma_start3A_1096 : memref<1x32x128xf32, #tpu.memory_space<vmem>> -> memref<32x128xf32, #tpu.memory_space<vmem>>
        %dma_start3A_1098 = arith.constant 0 : i32
        %dma_start3A_1099 = tpu.memref_slice %arg5[%dma_start3A_1098, %multiple_of3A_1073] : memref<32x1000000xf32, #tpu.memory_space<hbm>> -> memref<32x128xf32, #tpu.memory_space<hbm>>
        tpu.enqueue_dma source(%dma_start3A_1099 : memref<32x128xf32, #tpu.memory_space<hbm>>) target(%dma_start3A_1097 : memref<32x128xf32, #tpu.memory_space<vmem>>) target_semaphore(%arg26 : memref<!tpu.dma_semaphore, #tpu.memory_space<semaphore_mem>>)
      } else {
      }
      %add3A_964 = arith.constant 7 : i32
      %add3A_965 = arith.addi %mul3A_363, %add3A_964 : i32
      %dma_wait3A_966 = arith.constant 7 : i32
      %dma_wait3A_967 = arith.constant 0 : i32
      %dma_wait3A_968 = arith.constant 0 : i32
      %dma_wait3A_969 = tpu.memref_slice %arg9[%dma_wait3A_966, %dma_wait3A_967, %dma_wait3A_968] : memref<8x32x128xf32, #tpu.memory_space<vmem>> -> memref<1x32x128xf32, #tpu.memory_space<vmem>>
      %dma_wait3A_970 = tpu.memref_squeeze %dma_wait3A_969 : memref<1x32x128xf32, #tpu.memory_space<vmem>> -> memref<32x128xf32, #tpu.memory_space<vmem>>
      %dma_wait3A_971 = arith.constant 0 : i32
      %dma_wait3A_972 = arith.constant 0 : i32
      %dma_wait3A_973 = tpu.memref_slice %arg4[%dma_wait3A_971, %dma_wait3A_972] : memref<32x1000000xf32, #tpu.memory_space<hbm>> -> memref<32x128xf32, #tpu.memory_space<hbm>>
      %dma_wait3A_974 = arith.constant 0 : i32
      %dma_wait3A_975 = arith.constant 0 : i32
      %dma_wait3A_976 = tpu.memref_slice %arg9[%dma_wait3A_966, %dma_wait3A_974, %dma_wait3A_975] : memref<8x32x128xf32, #tpu.memory_space<vmem>> -> memref<1x32x128xf32, #tpu.memory_space<vmem>>
      %dma_wait3A_977 = tpu.memref_squeeze %dma_wait3A_976 : memref<1x32x128xf32, #tpu.memory_space<vmem>> -> memref<32x128xf32, #tpu.memory_space<vmem>>
      %dma_wait3A_978 = arith.constant 0 : i32
      %dma_wait3A_979 = arith.constant 0 : i32
      %dma_wait3A_980 = tpu.memref_slice %arg4[%dma_wait3A_978, %dma_wait3A_979] : memref<32x1000000xf32, #tpu.memory_space<hbm>> -> memref<32x128xf32, #tpu.memory_space<hbm>>
      tpu.wait_dma2 semaphore(%arg19 : memref<!tpu.dma_semaphore, #tpu.memory_space<semaphore_mem>>) src(%dma_wait3A_980 : memref<32x128xf32, #tpu.memory_space<hbm>>) dst(%dma_wait3A_977 : memref<32x128xf32, #tpu.memory_space<vmem>>)
      %dma_wait3A_981 = arith.constant 7 : i32
      %dma_wait3A_982 = arith.constant 0 : i32
      %dma_wait3A_983 = arith.constant 0 : i32
      %dma_wait3A_984 = tpu.memref_slice %arg10[%dma_wait3A_981, %dma_wait3A_982, %dma_wait3A_983] : memref<8x32x128xf32, #tpu.memory_space<vmem>> -> memref<1x32x128xf32, #tpu.memory_space<vmem>>
      %dma_wait3A_985 = tpu.memref_squeeze %dma_wait3A_984 : memref<1x32x128xf32, #tpu.memory_space<vmem>> -> memref<32x128xf32, #tpu.memory_space<vmem>>
      %dma_wait3A_986 = arith.constant 0 : i32
      %dma_wait3A_987 = arith.constant 0 : i32
      %dma_wait3A_988 = tpu.memref_slice %arg5[%dma_wait3A_986, %dma_wait3A_987] : memref<32x1000000xf32, #tpu.memory_space<hbm>> -> memref<32x128xf32, #tpu.memory_space<hbm>>
      %dma_wait3A_989 = arith.constant 0 : i32
      %dma_wait3A_990 = arith.constant 0 : i32
      %dma_wait3A_991 = tpu.memref_slice %arg10[%dma_wait3A_981, %dma_wait3A_989, %dma_wait3A_990] : memref<8x32x128xf32, #tpu.memory_space<vmem>> -> memref<1x32x128xf32, #tpu.memory_space<vmem>>
      %dma_wait3A_992 = tpu.memref_squeeze %dma_wait3A_991 : memref<1x32x128xf32, #tpu.memory_space<vmem>> -> memref<32x128xf32, #tpu.memory_space<vmem>>
      %dma_wait3A_993 = arith.constant 0 : i32
      %dma_wait3A_994 = arith.constant 0 : i32
      %dma_wait3A_995 = tpu.memref_slice %arg5[%dma_wait3A_993, %dma_wait3A_994] : memref<32x1000000xf32, #tpu.memory_space<hbm>> -> memref<32x128xf32, #tpu.memory_space<hbm>>
      tpu.wait_dma2 semaphore(%arg27 : memref<!tpu.dma_semaphore, #tpu.memory_space<semaphore_mem>>) src(%dma_wait3A_995 : memref<32x128xf32, #tpu.memory_space<hbm>>) dst(%dma_wait3A_992 : memref<32x128xf32, #tpu.memory_space<vmem>>)
      %get3A_996 = arith.index_cast %add3A_965 : i32 to index
      %get3A_997 = tpu.vector_load %arg7[%get3A_996] {strides = array<i32>} : memref<528xi32, #tpu.memory_space<vmem>>, vector<16xi32>,
      %slice3A_998 = vector.extract_strided_slice %get3A_997 {offsets = [0], sizes = [1], strides = [1]} : vector<16xi32> to vector<1xi32>
      %squeeze3A_999 = vector.extract %slice3A_998[0] : i32 from vector<1xi32>
      %and3A_1000 = arith.constant 127 : i32
      %and3A_1001 = arith.andi %squeeze3A_999, %and3A_1000 : i32
      %broadcast_in_dim3A_1002 = vector.broadcast %and3A_1001 : i32 to vector<16xi32>
      %get3A_1003 = arith.index_cast %add3A_965 : i32 to index
      %get3A_1004 = tpu.vector_load %arg8[%get3A_1003] {strides = array<i32>} : memref<528xi32, #tpu.memory_space<vmem>>, vector<16xi32>,
      %slice3A_1005 = vector.extract_strided_slice %get3A_1004 {offsets = [0], sizes = [1], strides = [1]} : vector<16xi32> to vector<1xi32>
      %squeeze3A_1006 = vector.extract %slice3A_1005[0] : i32 from vector<1xi32>
      %and3A_1007 = arith.constant 127 : i32
      %and3A_1008 = arith.andi %squeeze3A_1006, %and3A_1007 : i32
      %broadcast_in_dim3A_1009 = vector.broadcast %and3A_1008 : i32 to vector<16xi32>
      %gather3A_1010 = arith.constant 7 : i32
      %gather3A_1011 = arith.constant 0 : i32
      %gather3A_1012 = arith.constant 0 : i32
      %gather3A_1013 = tpu.memref_slice %arg9[%gather3A_1010, %gather3A_1011, %gather3A_1012] : memref<8x32x128xf32, #tpu.memory_space<vmem>> -> memref<1x32x128xf32, #tpu.memory_space<vmem>>
      %gather3A_1014 = tpu.memref_squeeze %gather3A_1013 : memref<1x32x128xf32, #tpu.memory_space<vmem>> -> memref<32x128xf32, #tpu.memory_space<vmem>>
      %gather3A_1015 = tpu.vector_load_idx %gather3A_1014[%iota3A, %broadcast_in_dim3A_1002] : memref<32x128xf32, #tpu.memory_space<vmem>>[vector<16xi32>, vector<16xi32>], vector<16xf32>,
      %gather3A_1016 = arith.constant 7 : i32
      %gather3A_1017 = arith.constant 0 : i32
      %gather3A_1018 = arith.constant 0 : i32
      %gather3A_1019 = tpu.memref_slice %arg10[%gather3A_1016, %gather3A_1017, %gather3A_1018] : memref<8x32x128xf32, #tpu.memory_space<vmem>> -> memref<1x32x128xf32, #tpu.memory_space<vmem>>
      %gather3A_1020 = tpu.memref_squeeze %gather3A_1019 : memref<1x32x128xf32, #tpu.memory_space<vmem>> -> memref<32x128xf32, #tpu.memory_space<vmem>>
      %gather3A_1021 = tpu.vector_load_idx %gather3A_1020[%iota3A, %broadcast_in_dim3A_1009] : memref<32x128xf32, #tpu.memory_space<vmem>>[vector<16xi32>, vector<16xi32>], vector<16xf32>,
      %mul3A_1022 = arith.mulf %gather3A_1015, %gather3A_1021 : vector<16xf32>
      %gather3A_1023 = arith.constant 7 : i32
      %gather3A_1024 = arith.constant 0 : i32
      %gather3A_1025 = arith.constant 0 : i32
      %gather3A_1026 = tpu.memref_slice %arg9[%gather3A_1023, %gather3A_1024, %gather3A_1025] : memref<8x32x128xf32, #tpu.memory_space<vmem>> -> memref<1x32x128xf32, #tpu.memory_space<vmem>>
      %gather3A_1027 = tpu.memref_squeeze %gather3A_1026 : memref<1x32x128xf32, #tpu.memory_space<vmem>> -> memref<32x128xf32, #tpu.memory_space<vmem>>
      %gather3A_1028 = tpu.vector_load_idx %gather3A_1027[%add3A_5, %broadcast_in_dim3A_1002] : memref<32x128xf32, #tpu.memory_space<vmem>>[vector<16xi32>, vector<16xi32>], vector<16xf32>,
      %gather3A_1029 = arith.constant 7 : i32
      %gather3A_1030 = arith.constant 0 : i32
      %gather3A_1031 = arith.constant 0 : i32
      %gather3A_1032 = tpu.memref_slice %arg10[%gather3A_1029, %gather3A_1030, %gather3A_1031] : memref<8x32x128xf32, #tpu.memory_space<vmem>> -> memref<1x32x128xf32, #tpu.memory_space<vmem>>
      %gather3A_1033 = tpu.memref_squeeze %gather3A_1032 : memref<1x32x128xf32, #tpu.memory_space<vmem>> -> memref<32x128xf32, #tpu.memory_space<vmem>>
      %gather3A_1034 = tpu.vector_load_idx %gather3A_1033[%add3A_5, %broadcast_in_dim3A_1009] : memref<32x128xf32, #tpu.memory_space<vmem>>[vector<16xi32>, vector<16xi32>], vector<16xf32>,
      %mul3A_1035 = arith.mulf %gather3A_1028, %gather3A_1034 : vector<16xf32>
      %add3A_1036 = arith.addf %mul3A_1022, %mul3A_1035 : vector<16xf32>
      %broadcast_in_dim3A_1037 = arith.constant true
      %broadcast_in_dim3A_1038 = vector.broadcast %broadcast_in_dim3A_1037 : i1 to vector<16xi1>
      %masked_cumsum3A_1039 = tpu.scan <sum>, %add3A_1036 masked %broadcast_in_dim3A_1038 : vector<16xf32>, vector<16xi1> -> vector<16xf32>
      %swap3A_1040 = arith.index_cast %add3A_965 : i32 to index
      %swap3A_1041 = tpu.vector_load %arg11[%swap3A_1040] masked %eq3A_7 {strides = array<i32>} : memref<528xf32, #tpu.memory_space<vmem>>, vector<16xf32>, vector<16xi1>
      tpu.vector_store %arg11[%swap3A_1040], %masked_cumsum3A_1039 masked %eq3A_7 {strides = array<i32>} : memref<528xf32, #tpu.memory_space<vmem>>, vector<16xf32>, vector<16xi1>
      %add3A_1042 = arith.constant 7 : i32
      %add3A_1043 = arith.addi %mul3A_363, %add3A_1042 : i32
      %add3A_1044 = arith.constant 8 : i32
      %add3A_1045 = arith.addi %add3A_1043, %add3A_1044 : i32
      %lt3A_1046 = arith.constant 512 : i32
      %lt3A_1047 = arith.cmpi slt, %add3A_1045, %lt3A_1046 : i32
      %convert_element_type3A_1048 = arith.extui %lt3A_1047 : i1 to i32
      %cond3A_1049 = arith.constant 0 : i32
      %cond3A_1050 = arith.cmpi ne, %convert_element_type3A_1048, %cond3A_1049 : i32
      scf.if %cond3A_1050 {
        %add3A_1052 = arith.constant 7 : i32
        %add3A_1053 = arith.addi %mul3A_363, %add3A_1052 : i32
        %add3A_1054 = arith.constant 8 : i32
        %add3A_1055 = arith.addi %add3A_1053, %add3A_1054 : i32
        %get3A_1056 = arith.index_cast %add3A_1055 : i32 to index
        %get3A_1057 = tpu.vector_load %arg7[%get3A_1056] {strides = array<i32>} : memref<528xi32, #tpu.memory_space<vmem>>, vector<16xi32>,
        %slice3A_1058 = vector.extract_strided_slice %get3A_1057 {offsets = [0], sizes = [1], strides = [1]} : vector<16xi32> to vector<1xi32>
        %squeeze3A_1059 = vector.extract %slice3A_1058[0] : i32 from vector<1xi32>
        %get3A_1060 = arith.index_cast %add3A_1055 : i32 to index
        %get3A_1061 = tpu.vector_load %arg8[%get3A_1060] {strides = array<i32>} : memref<528xi32, #tpu.memory_space<vmem>>, vector<16xi32>,
        %slice3A_1062 = vector.extract_strided_slice %get3A_1061 {offsets = [0], sizes = [1], strides = [1]} : vector<16xi32> to vector<1xi32>
        %squeeze3A_1063 = vector.extract %slice3A_1062[0] : i32 from vector<1xi32>
        %shift_right_arithmetic3A_1064 = arith.constant 7 : i32
        %shift_right_arithmetic3A_1065 = arith.shrsi %squeeze3A_1059, %shift_right_arithmetic3A_1064 : i32
        %mul3A_1066 = arith.constant 128 : i32
        %mul3A_1067 = arith.muli %shift_right_arithmetic3A_1065, %mul3A_1066 : i32
        %multiple_of3A_1068 = tpu.assume_multiple %mul3A_1067, 128 : i32
        %shift_right_arithmetic3A_1069 = arith.constant 7 : i32
        %shift_right_arithmetic3A_1070 = arith.shrsi %squeeze3A_1063, %shift_right_arithmetic3A_1069 : i32
        %mul3A_1071 = arith.constant 128 : i32
        %mul3A_1072 = arith.muli %shift_right_arithmetic3A_1070, %mul3A_1071 : i32
        %multiple_of3A_1073 = tpu.assume_multiple %mul3A_1072, 128 : i32
        %dma_start3A_1074 = arith.constant 7 : i32
        %dma_start3A_1075 = arith.constant 0 : i32
        %dma_start3A_1076 = arith.constant 0 : i32
        %dma_start3A_1077 = tpu.memref_slice %arg9[%dma_start3A_1074, %dma_start3A_1075, %dma_start3A_1076] : memref<8x32x128xf32, #tpu.memory_space<vmem>> -> memref<1x32x128xf32, #tpu.memory_space<vmem>>
        %dma_start3A_1078 = tpu.memref_squeeze %dma_start3A_1077 : memref<1x32x128xf32, #tpu.memory_space<vmem>> -> memref<32x128xf32, #tpu.memory_space<vmem>>
        %dma_start3A_1079 = arith.constant 0 : i32
        %dma_start3A_1080 = tpu.memref_slice %arg4[%dma_start3A_1079, %multiple_of3A_1068] : memref<32x1000000xf32, #tpu.memory_space<hbm>> -> memref<32x128xf32, #tpu.memory_space<hbm>>
        %dma_start3A_1081 = arith.constant 0 : i32
        %dma_start3A_1082 = arith.constant 0 : i32
        %dma_start3A_1083 = tpu.memref_slice %arg9[%dma_start3A_1074, %dma_start3A_1081, %dma_start3A_1082] : memref<8x32x128xf32, #tpu.memory_space<vmem>> -> memref<1x32x128xf32, #tpu.memory_space<vmem>>
        %dma_start3A_1084 = tpu.memref_squeeze %dma_start3A_1083 : memref<1x32x128xf32, #tpu.memory_space<vmem>> -> memref<32x128xf32, #tpu.memory_space<vmem>>
        %dma_start3A_1085 = arith.constant 0 : i32
        %dma_start3A_1086 = tpu.memref_slice %arg4[%dma_start3A_1085, %multiple_of3A_1068] : memref<32x1000000xf32, #tpu.memory_space<hbm>> -> memref<32x128xf32, #tpu.memory_space<hbm>>
        tpu.enqueue_dma source(%dma_start3A_1086 : memref<32x128xf32, #tpu.memory_space<hbm>>) target(%dma_start3A_1084 : memref<32x128xf32, #tpu.memory_space<vmem>>) target_semaphore(%arg19 : memref<!tpu.dma_semaphore, #tpu.memory_space<semaphore_mem>>)
        %dma_start3A_1087 = arith.constant 7 : i32
        %dma_start3A_1088 = arith.constant 0 : i32
        %dma_start3A_1089 = arith.constant 0 : i32
        %dma_start3A_1090 = tpu.memref_slice %arg10[%dma_start3A_1087, %dma_start3A_1088, %dma_start3A_1089] : memref<8x32x128xf32, #tpu.memory_space<vmem>> -> memref<1x32x128xf32, #tpu.memory_space<vmem>>
        %dma_start3A_1091 = tpu.memref_squeeze %dma_start3A_1090 : memref<1x32x128xf32, #tpu.memory_space<vmem>> -> memref<32x128xf32, #tpu.memory_space<vmem>>
        %dma_start3A_1092 = arith.constant 0 : i32
        %dma_start3A_1093 = tpu.memref_slice %arg5[%dma_start3A_1092, %multiple_of3A_1073] : memref<32x1000000xf32, #tpu.memory_space<hbm>> -> memref<32x128xf32, #tpu.memory_space<hbm>>
        %dma_start3A_1094 = arith.constant 0 : i32
        %dma_start3A_1095 = arith.constant 0 : i32
        %dma_start3A_1096 = tpu.memref_slice %arg10[%dma_start3A_1087, %dma_start3A_1094, %dma_start3A_1095] : memref<8x32x128xf32, #tpu.memory_space<vmem>> -> memref<1x32x128xf32, #tpu.memory_space<vmem>>
        %dma_start3A_1097 = tpu.memref_squeeze %dma_start3A_1096 : memref<1x32x128xf32, #tpu.memory_space<vmem>> -> memref<32x128xf32, #tpu.memory_space<vmem>>
        %dma_start3A_1098 = arith.constant 0 : i32
        %dma_start3A_1099 = tpu.memref_slice %arg5[%dma_start3A_1098, %multiple_of3A_1073] : memref<32x1000000xf32, #tpu.memory_space<hbm>> -> memref<32x128xf32, #tpu.memory_space<hbm>>
        tpu.enqueue_dma source(%dma_start3A_1099 : memref<32x128xf32, #tpu.memory_space<hbm>>) target(%dma_start3A_1097 : memref<32x128xf32, #tpu.memory_space<vmem>>) target_semaphore(%arg27 : memref<!tpu.dma_semaphore, #tpu.memory_space<semaphore_mem>>)
      } else {
      }
      %scan3A_1051 = arith.constant 0 : i32
      scf.yield %scan3A_1051 : i32
    }
    %scan3A_359 = arith.constant 64 : i32
    "tpu.region"() ({
      %run_scoped3A = tpu.sem_alloc : memref<!tpu.dma_semaphore, #tpu.memory_space<semaphore_mem>>
      %dma_start3A_360 = arith.constant 0 : i32
      %dma_start3A_361 = tpu.memref_slice %arg11[%dma_start3A_360] : memref<528xf32, #tpu.memory_space<vmem>> -> memref<512xf32, #tpu.memory_space<vmem>>
      %dma_start3A_362 = tpu.memref_slice %arg6[%mul3A_2] : memref<16384xf32, #tpu.memory_space<hbm>> -> memref<512xf32, #tpu.memory_space<hbm>>
      %dma_start3A_363 = tpu.memref_slice %arg6[%mul3A_2] : memref<16384xf32, #tpu.memory_space<hbm>> -> memref<512xf32, #tpu.memory_space<hbm>>
      %dma_start3A_364 = arith.constant 0 : i32
      %dma_start3A_365 = tpu.memref_slice %arg11[%dma_start3A_364] : memref<528xf32, #tpu.memory_space<vmem>> -> memref<512xf32, #tpu.memory_space<vmem>>
      tpu.enqueue_dma source(%dma_start3A_365 : memref<512xf32, #tpu.memory_space<vmem>>) target(%dma_start3A_363 : memref<512xf32, #tpu.memory_space<hbm>>) target_semaphore(%run_scoped3A : memref<!tpu.dma_semaphore, #tpu.memory_space<semaphore_mem>>)
      %dma_wait3A = arith.constant 0 : i32
      %dma_wait3A_366 = tpu.memref_slice %arg11[%dma_wait3A] : memref<528xf32, #tpu.memory_space<vmem>> -> memref<512xf32, #tpu.memory_space<vmem>>
      %dma_wait3A_367 = tpu.memref_slice %arg6[%mul3A_2] : memref<16384xf32, #tpu.memory_space<hbm>> -> memref<512xf32, #tpu.memory_space<hbm>>
      %dma_wait3A_368 = tpu.memref_slice %arg6[%mul3A_2] : memref<16384xf32, #tpu.memory_space<hbm>> -> memref<512xf32, #tpu.memory_space<hbm>>
      %dma_wait3A_369 = arith.constant 0 : i32
      %dma_wait3A_370 = tpu.memref_slice %arg11[%dma_wait3A_369] : memref<528xf32, #tpu.memory_space<vmem>> -> memref<512xf32, #tpu.memory_space<vmem>>
      tpu.wait_dma2 semaphore(%run_scoped3A : memref<!tpu.dma_semaphore, #tpu.memory_space<semaphore_mem>>) src(%dma_wait3A_370 : memref<512xf32, #tpu.memory_space<vmem>>) dst(%dma_wait3A_368 : memref<512xf32, #tpu.memory_space<hbm>>)
      tpu.yield
    }) : () -> ()
    return
  }
}

</mosaic_0001>

<sc_bundles>
// kernel: kernel.3.cloned.1.call-start
scs
__scs_entry_jumppad:
0x0: {  	(pc) =	sbr.rel $0x88, $3  }
0x1: {  	(tag) =	ssettag $0x0;
	lr =	simm.s32 $0x1  }
0x2: {  	[smem:$0x3F9D] =	sst lr;
	_ =	strace $0xD0000000  }
0x3: {  	_ = 	snop  }
0x4: {  	_ = 	snop  }
0x5: {  	_ = 	snop  }
0x6: {  	_ = 	snop  }
0x7: {  	_ = 	snop  }
__scs_overlays_trampoline_lowered:
0x8: {  	[smem:$0x3FAC] =	sst s0  }
0x9: {  	[smem:$0x3FAD] =	sst s1  }
0xa: {  	[smem:$0x3FAE] =	sst s2  }
0xb: {  	[smem:$0x3FAF] =	sst s3  }
0xc: {  	[smem:$0x3FB0] =	sst s4  }
0xd: {  	[smem:$0x3FB1] =	sst s5  }
0xe: {  	[smem:$0x3FB2] =	sst s6  }
0xf: {  	[smem:$0x3FB3] =	sst s7  }
0x10: {  	[smem:$0x3FB4] =	sst s8  }
0x11: {  	[smem:$0x3FB5] =	sst s9;
	s0 =	simm.s32 @!p0 $0x0  }
0x12: {  	s1 =	sld [smem:$0x3F9B];
	s0 =	simm.s32 @p0 $0x1  }
0x13: {  	[smem:$0x3FB6] =	sst s0;
	s0 =	simm.s32 @!p1 $0x0  }
0x14: {  	s2 =	sld [smem:$0x3F9A];
	s0 =	simm.s32 @p1 $0x1  }
0x15: {  	[smem:$0x3FB7] =	sst s0;
	s0 =	simm.s32 @!p2 $0x0  }
0x16: {  	s3 =	sld [smem:$0x3FDB];
	s0 =	simm.s32 @p2 $0x1  }
0x17: {  	s4 =	simm.s32 $0x1BF5;
	[smem:$0x3FB9] =	sst s0  }
0x18: {  	s0 =	sld [smem:$0x3F9C];
	_ =	swait.ge [sflag:s4], $0x0  }
0x19: {  	s7 =	sld [smem:$0x3F9D]  }
0x1a: {  	s8 =	sadd.s32 $0xFFFFE003, lr  }
0x1b: {  	s9 =	sadd.s32 $0xFFFFFEF7, lr;
	s5 =	simm.s32 $0xFFFFFFFF;
	p2 =	slt.u32 s8, $0xFFFFF086  }
0x1c: {  	p1 =	slt.u32 s9, $0xF7A;
	s5 =	simm.s32 @!p2 $0x0  }
0x1d: {  	s5 =	simm.s32 @p1 $0x1;
	p0 =	seq.s32 s7, s2  }
0x1e: {  	s7 =	smul.u32 @!p0 $0xF7A, s2;
	p2 =	seq.s32 @!p0 s5, $0x0  }
0x1f: {  	s9 =	smul.u32 $0xF7A, s1;
	s8 =	simm.s32 @!p0 $0x1BF5;
	p2 =	por !p2, p0  }
0x20: {  	[sflag:s8] =	ssyncset.s32 @!p0 $0xFFFFF086;
	s6 =	sadd.s32 @!p0 s3, s7;
	s7 =	simm.s32 @!p0 $0x108  }
0x21: {  	s3 =	sadd.s32 s3, s9;
	s6 =	sadd.s32 @!p0 $0x88, s6;
	s7 =	simm.s32 @p2 $0x1082  }
0x22: {  	[simem:s7], [sflag:s8] =	dma.local @!p0 [hbm:s6], $0xF7A  }
0x23: {  	s9 =	sor.u32 $0xD0000000, s2;
	s6 =	simm.s32 $0x108;
	_ =	swait.ge @!p0 [sflag:s8], $0x0  }
0x24: {  	s3 =	sadd.s32 $0x88, s3;
	s6 =	simm.s32 @!p1 $0x1082;
	[sflag:s4] =	ssyncset.s32 $0xFFFFF086  }
0x25: {  	[simem:s6], [sflag:s4] =	dma.local [hbm:s3], $0xF7A  }
0x26: {  	[smem:$0x3F9D] =	sst s1;
	(tag) =	ssettag s2;
	_ =	strace s9  }
0x27: {  	s1 =	sld [smem:$0x3FAD]  }
0x28: {  	s2 =	sld [smem:$0x3FAE]  }
0x29: {  	s4 =	sld [smem:$0x3FB0]  }
0x2a: {  	p0 =	seq.s32 s5, $0x0;
	s5 =	sld [smem:$0x3FB1]  }
0x2b: {  	s6 =	sld [smem:$0x3FB2]  }
0x2c: {  	s7 =	sld [smem:$0x3FB3]  }
0x2d: {  	s3 =	simm.s32 $0x108;
	s8 =	sld [smem:$0x3FB4]  }
0x2e: {  	s3 =	simm.s32 @!p0 $0x1082;
	s9 =	sld [smem:$0x3FB5]  }
0x2f: {  	lr =	sadd.s32 s0, s3;
	s0 =	sld [smem:$0x3FAC]  }
0x30: {  	s3 =	sld [smem:$0x3FAF]  }
0x31: {  	[smem:$0x3FB8] =	sst s10  }
0x32: {  	s10 =	sld [smem:$0x3FB6];
	_ =	sdelay $0x3  }
0x33: {  	p0 =	seq.s32 s10, $0x1;
	s10 =	sld [smem:$0x3FB8];
	_ =	sdelay $0x3  }
0x34: {  	[smem:$0x3FB8] =	sst s10  }
0x35: {  	s10 =	sld [smem:$0x3FB7];
	_ =	sdelay $0x3  }
0x36: {  	p1 =	seq.s32 s10, $0x1;
	s10 =	sld [smem:$0x3FB8];
	_ =	sdelay $0x3  }
0x37: {  	[smem:$0x3FB8] =	sst s10  }
0x38: {  	s10 =	sld [smem:$0x3FB9]  }
0x39: {  	_ = 	snop;
	(pc) =	sbr.ind lr, $3  }
0x3a: {  	_ = 	snop  }
0x3b: {  	_ = 	snop  }
0x3c: {  	p2 =	seq.s32 s10, $0x1;
	s10 =	sld [smem:$0x3FB8]  }
0x3d: {  	_ =	shalt  }
0x3e: {  	_ =	shalt  }
0x3f: {  	_ =	shalt  }
0x40: {  	_ =	shalt  }
0x41: {  	_ =	shalt  }
0x42: {  	_ =	shalt  }
0x43: {  	_ =	shalt  }
0x44: {  	_ =	shalt  }
0x45: {  	_ =	shalt  }
0x46: {  	_ =	shalt  }
0x47: {  	_ =	shalt  }
0x48: {  	_ =	shalt  }
0x49: {  	_ =	shalt  }
0x4a: {  	_ =	shalt  }
0x4b: {  	_ =	shalt  }
0x4c: {  	_ =	shalt  }
0x4d: {  	_ =	shalt  }
0x4e: {  	_ =	shalt  }
0x4f: {  	_ =	shalt  }
0x50: {  	_ =	shalt  }
0x51: {  	_ =	shalt  }
0x52: {  	_ =	shalt  }
0x53: {  	_ =	shalt  }
0x54: {  	_ =	shalt  }
0x55: {  	_ =	shalt  }
0x56: {  	_ =	shalt  }
0x57: {  	_ =	shalt  }
0x58: {  	_ =	shalt  }
0x59: {  	_ =	shalt  }
0x5a: {  	_ =	shalt  }
0x5b: {  	_ =	shalt  }
0x5c: {  	_ =	shalt  }
0x5d: {  	_ =	shalt  }
0x5e: {  	_ =	shalt  }
0x5f: {  	_ =	shalt  }
0x60: {  	_ =	shalt  }
0x61: {  	_ =	shalt  }
0x62: {  	_ =	shalt  }
0x63: {  	_ =	shalt  }
0x64: {  	_ =	shalt  }
0x65: {  	_ =	shalt  }
0x66: {  	_ =	shalt  }
0x67: {  	_ =	shalt  }
0x68: {  	_ =	shalt  }
0x69: {  	_ =	shalt  }
0x6a: {  	_ =	shalt  }
0x6b: {  	_ =	shalt  }
0x6c: {  	_ =	shalt  }
0x6d: {  	_ =	shalt  }
0x6e: {  	_ =	shalt  }
0x6f: {  	_ =	shalt  }
0x70: {  	_ =	shalt  }
0x71: {  	_ =	shalt  }
0x72: {  	_ =	shalt  }
0x73: {  	_ =	shalt  }
0x74: {  	_ =	shalt  }
0x75: {  	_ =	shalt  }
0x76: {  	_ =	shalt  }
0x77: {  	_ =	shalt  }
0x78: {  	_ =	shalt  }
0x79: {  	_ =	shalt  }
0x7a: {  	_ =	shalt  }
0x7b: {  	_ =	shalt  }
0x7c: {  	_ =	shalt  }
0x7d: {  	_ =	shalt  }
0x7e: {  	_ =	shalt  }
0x7f: {  	_ =	shalt  }
0x80: {  	_ =	shalt  }
0x81: {  	_ =	shalt  }
0x82: {  	_ =	shalt  }
0x83: {  	_ =	shalt  }
0x84: {  	_ =	shalt  }
0x85: {  	_ =	shalt  }
0x86: {  	_ =	shalt  }
0x87: {  	_ =	shalt  }
.Lfunc_end0:
.L_simem_size_0:
called_computation_lowered:
.L_overlay_start_0:
0x88: {  	s2 =	sld [smem:$0x3FD9]  }
0x89: {  	s3 =	sld [smem:$0x3FFE];
	_ =	sdelay $0x1  }
0x8a: {  	s1 =	srdreg.scid  }
0x8b: {  	s0 =	sand.u32 $0x1, s1  }
0x8c: {  	s18 =	sshll.u32 s0, $0xA;
	s2 =	sadd.s32 s3, s2  }
0x8d: {  	s2 =	sadd.s32 s2, s18  }
0x8e: {  	[smem:$0x3FC4] =	sst s2  }
0x8f: {  	_ = 	snop  }
0x90: {  	s2 =	sld [smem:$0x3FC9]  }
0x91: {  	s19 =	sld [smem:$0x3FC8]  }
0x92: {  	s4 =	sld [smem:$0x3FC7]  }
0x93: {  	s5 =	sld [smem:$0x3FC6]  }
0x94: {  	s6 =	sld [smem:$0x3FD0];
	(tm) =	ssettm $0x1  }
0x95: {  	s7 =	sld [smem:$0x3FFB];
	_ =	sdelay $0x3  }
0x96: {  	_ =	strace s7  }
0x97: {  	s7 =	sld [smem:$0x3FFC];
	_ =	sdelay $0x3  }
0x98: {  	_ =	strace s7  }
0x99: {  	s7 =	sld [smem:$0x3FFD];
	_ =	sdelay $0x3  }
0x9a: {  	_ =	strace s7  }
0x9b: {  	_ =	strace $0x8FFFFFFF  }
0x9c: {  	s20 =	sld [smem:$0x3FDB];
	_ =	sdelay $0x1  }
0x9d: {  	s8 =	simm.s32 $_scs_section_size  }
0x9e: {  	s9 =	simm.s32 $_size__tile_overlayer_lowered;
	s10 =	simm.s32 $_tile_overlayer_lowered  }
0x9f: {  	s23 =	simm.s32 $0x1BFF;
	s22 =	sshll.u32 s10, $0x1;
	s7 =	sadd.s32 s8, s20  }
0xa0: {  	s11 =	simm.s32 $0x0;
	s21 =	sshll.u32 s9, $0x1;
	s9 =	sadd.s32 s22, s7  }
0xa1: {  	[timem:s11], [sflag:s23] =	dma.local [hbm:s9], s21  }
0xa2: {  	_ =	swait.ge [sflag:s23], s21  }
0xa3: {  	s8 =	ssub.s32 $0x0, s21;
	[sflag:s23] =	ssyncset.done $0x0  }
0xa4: {  	[sflag:s23] =	ssyncadd.s32 s8;
	_ =	sdelay $0x1  }
0xa5: {  	s24 =	simm.s32 $0x1B8B  }
0xa6: {  	_ =	swait.ge [sflag:s24], $0x1  }
0xa7: {  	[sflag:s24] =	ssyncset.done $0x0  }
0xa8: {  	s25 =	simm.s32 $0x1B8E;
	[sflag:s24] =	ssyncadd.s32 $0xFFFFFFFF  }
0xa9: {  	s26 =	simm.s32 $execute0_lowered;
	[smem:$0x3FD2] =	sst s25  }
0xaa: {  	s8 =	sshll.u32 s26, $0x1;
	_ =	strace $0x80000046;
	[dreg:$0x1] =	wrdreg $0xFFFFFFFF  }
0xab: {  	s28 =	simm.s32 $_size_execute0_lowered;
	s7 =	sadd.s32 s7, s8;
	[dreg:$0x0] =	wrdreg $0x0  }
0xac: {  	s8 =	sshll.u32 s28, $0x1;
	[dreg:$0x2] =	wrdreg s7  }
0xad: {  	[dreg:$0x3] =	wrdreg s8  }
0xae: {  	[dreg:$0x4] =	wrdreg $0xC0  }
0xaf: {  	_ =	task [dreg:s11], $0x5FFFF  }
0xb0: {  	[dreg:$0x1] =	wrdreg $0xFFFFFFFF  }
0xb1: {  	[dreg:$0x0] =	wrdreg $0x60  }
0xb2: {  	[dreg:$0x2] =	wrdreg s2  }
0xb3: {  	[dreg:$0x3] =	wrdreg s19  }
0xb4: {  	[dreg:$0x4] =	wrdreg s4  }
0xb5: {  	[dreg:$0x5] =	wrdreg s5  }
0xb6: {  	[dreg:$0x6] =	wrdreg s6  }
0xb7: {  	[dreg:$0x7] =	wrdreg $0x9  }
0xb8: {  	_ =	task.clear_ibuf [dreg:s11], $0x8FFFF;
	_ =	strace $0x90000046  }
0xb9: {  	s29 =	simm.s32 $0x9;
	_ =	strace $0x80000048  }
0xba: {  	_ =	swait.ge [sflag:s29], $0x1  }
0xbb: {  	[sflag:s29] =	ssyncadd.s32 $0xFFFFFFFF  }
0xbc: {  	_ =	strace $0x90000048  }
0xbd: {  	_ =	sfence  }
0xbe: {  	s30 =	sld [smem:$0x0];
	_ =	sdelay $0x2  }
0xbf: {  	s31 =	sshll.u32 s1, $0xD;
	s1 =	sshrl.u32 s1, $0x2  }
0xc0: {  	s3 =	sand.u32 $0x4000, s31;
	s1 =	sadd.s32 s1, s30  }
0xc1: {  	s0 =	sor.u32 s3, s0;
	s1 =	sshll.u32 s1, $0x11  }
0xc2: {  	s0 =	sor.u32 s1, s0  }
0xc3: {  	s0 =	sadd.s32 $0x8F2B, s0  }
0xc4: {  	[sflag:s0] =	ssyncadd.remote.s32 $0x1  }
0xc5: {  	_ =	sfence.sel $0xFFFF  }
0xc6: {  	[dreg:$0x0] =	wrdreg $0xFFFFFFFF;
	(pc) =	sbr.abs _section_cstart, $3  }
0xc7: {  	[dreg:$0x1] =	wrdreg $0xFFFFFFFF  }
0xc8: {  	_ =	task.clear_ibuf [dreg:s11], $0x2FFFF;
	_ =	strace $0x9FFFFFFF  }
0xc9: {  	(tm) =	ssettm $0x7FFFFFFF  }
tec
execute0_lowered:
.L_overlay_start_1:
0x0: {  	(tag) =	ssettag $0x1  }
0x1: {  	s0 =	rddreg [dreg:$0x0]  }
0x2: {  	s3 =	rddreg [dreg:$0x1]  }
0x3: {  	s1 =	rddreg [dreg:$0x2]  }
0x4: {  	s2 =	rddreg [dreg:$0x3]  }
0x5: {  	s4 =	rddreg [dreg:$0x4]  }
0x6: {  	s5 =	srdreg.scid;
	s18 =	simm.s32 $0x0;
	s8 =	stileid.u32  }
0x7: {  	s20 =	simm.s32 $0x11;
	s11 =	simm.s32 $0x1500;
	s12 =	simm.s32 $0x9500  }
0x8: {  	s28 =	simm.s32 $0x2500;
	s29 =	simm.s32 $0xA500;
	s30 =	simm.s32 $0x3500  }
0x9: {  	s31 =	simm.s32 $0xB500;
	s10 =	simm.s32 $0x5500;
	s9 =	simm.s32 $0x6  }
0xa: {  	s13 =	simm.s32 $0xE;
	s14 =	simm.s32 $0x7;
	s15 =	simm.s32 $0xF  }
0xb: {  	s16 =	simm.s32 $0x8;
	s17 =	simm.s32 $0x10;
	s5 =	sand.u32 $0x1, s5  }
0xc: {  	[smem:$0x7FF] =	sst s18;
	s8 =	sshll.u32 s8, $0x7;
	s6 =	ssub.s32 $0x2, s5  }
0xd: {  	s5 =	sshll.u32 s5, $0x6;
	_ =	strace $0x80000047;
	s7 =	sshrl.u32 s6, $0x1  }
0xe: {  	s5 =	sor.u32 s5, s8;
	s8 =	simm.s32 $0x0;
	s6 =	ssub.s32 s6, s7  }
0xf: {  	s0 =	sadd.s32 s0, s5;
	s24 =	sadd.s32 s3, s5;
	s25 =	sadd.s32 s4, s5  }
.Ltmp0:
0x10: {  	s3 =	simm.s32 $0xC500;
	[dreg:$0x6] =	wrdreg s0;
	(pc) =	sbr.rel .LBB2_1-.Ltmp0, $4  }
0x11: {  	v0 =	vlaneseq.u32;
	s5 =	simm.s32 $0xD500;
	s7 =	simm.s32 $0x7500;
	[dreg:$0x7] =	wrdreg s24  }
0x12: {  	v0 =	vmul.u32 $0x80, v0;
	s4 =	simm.s32 $0xF500;
	[dreg:$0x8] =	wrdreg s25;
	s26 =	smax.u32 s6, $0x1  }
0x13: {  	s25 =	simm.s32 $0x500;
	s0 =	simm.s32 $0x4500;
	s24 =	simm.s32 $0x6500  }
0x14: {  	vm0 =	vcmask $0x3F3C;
	v1 =	vor.u32 $0x800, v0;
	s6 =	simm.s32 $0xE500;
	[dreg:$0x9] =	wrdreg s26;
	s26 =	simm.s32 $0x8500  }
.LBB2_4:
0x15: {  	s18 =	simm.s32 $0x0  }
0x16: {  	s19 =	rddreg [dreg:$0x8];
	s8 =	simm.s32 $0x10500;
	s20 =	simm.s32 $0x11  }
0x17: {  	[hbm4b:s19+s18] =	stream.linear.scatter [tilespmem:s8], [sflag:$0x11], $0x200, $0x38;
	[tilespmem:$0x10780] =	vst v63  }
0x18: {  	_ =	swait.ge [sflag:s20], $0x200  }
0x19: {  	s22 =	rddreg [dreg:$0xa]  }
0x1a: {  	s23 =	rddreg [dreg:$0x9];
	s8 =	sadd.s32 $0x1, s22  }
0x1b: {  	p0 =	sne.s32 s8, s23  }
.Ltmp1:
0x1c: {  	_ = 	snop;
	(pc) =	sbr.rel @!p0 .LBB2_5-.Ltmp1, $3  }
0x1d: {  	_ =	sdelay $0x1  }
0x1e: {  	[sflag:s20] =	ssyncset.done $0x0  }
0x1f: {  	[sflag:s20] =	ssyncadd.s32 $0xFFFFFE00  }
.LBB2_1:
0x20: {  	[dreg:$0xa] =	wrdreg s8  }
0x21: {  	s19 =	rddreg [dreg:$0x6]  }
0x22: {  	[tilespmem:s18], [sflag:$0x11] =	stream.linear.gather [hbm4b:s19+s18], $0x200, $0x38;
	[tilespmem:$0x10780] =	vst v63  }
0x23: {  	_ =	swait.ge [sflag:s20], $0x200  }
0x24: {  	[sflag:s20] =	ssyncset.done $0x0  }
0x25: {  	s21 =	simm.s32 $0x280;
	s8 =	rddreg [dreg:$0x7];
	[sflag:s20] =	ssyncadd.s32 $0xFFFFFE00  }
0x26: {  	[tilespmem:s21], [sflag:$0x11] =	stream.linear.gather [hbm4b:s8+s18], $0x200, $0x38;
	[tilespmem:$0x10780] =	vst v63  }
0x27: {  	_ =	swait.ge [sflag:s20], $0x200  }
0x28: {  	[sflag:s20] =	ssyncset.done $0x0  }
0x29: {  	[sflag:s20] =	ssyncadd.s32 $0xFFFFFE00  }
0x2a: {  	v2 =	vld [tilespmem:$0x0];
	_ =	sdelay $0x1  }
0x2b: {  	v3 =	vld [tilespmem:$0x280];
	_ =	sdelay $0x2  }
0x2c: {  	(v2sf) =	vpush v2, $0x0;
	_ =	sdelay $0x1  }
0x2d: {  	(v2sf) =	vpush v3, $0x0;
	_ =	sdelay $0xc  }
0x2e: {  	s22 =	spop (v2sf)  }
0x2f: {  	s19 =	simm.s32 $0x400;
	s18 =	sand.u32 $0xFFFFF80, s22  }
0x30: {  	s20 =	simm.s32 $0x7A1400;
	s23 =	spop (v2sf);
	s18 =	sadd.s32 s1, s18  }
0x31: {  	[tilespmem:s25], [sflag:$0x1] =	stream.strided.gather [hbm4b:s18+s19], $0x1000, s20, s19, $0x38;
	[tilespmem:$0x10780] =	vst v63  }
0x32: {  	s18 =	sand.u32 $0xFFFFF80, s23  }
0x33: {  	s18 =	sadd.s32 s2, s18  }
0x34: {  	[tilespmem:s26], [sflag:$0x9] =	stream.strided.gather [hbm4b:s18+s19], $0x1000, s20, s19, $0x38;
	[tilespmem:$0x10780] =	vst v63  }
0x35: {  	v2 =	vld [tilespmem:$0x1];
	_ =	sdelay $0x1  }
0x36: {  	v3 =	vld [tilespmem:$0x281];
	_ =	sdelay $0x2  }
0x37: {  	(v2sf) =	vpush v2, $0x0;
	_ =	sdelay $0x1  }
0x38: {  	(v2sf) =	vpush v3, $0x0;
	_ =	sdelay $0xc  }
0x39: {  	s25 =	spop (v2sf)  }
0x3a: {  	s18 =	sand.u32 $0xFFFFF80, s25  }
0x3b: {  	s26 =	spop (v2sf);
	s18 =	sadd.s32 s1, s18  }
0x3c: {  	[tilespmem:s11], [sflag:$0x2] =	stream.strided.gather [hbm4b:s18+s19], $0x1000, s20, s19, $0x38;
	[tilespmem:$0x10780] =	vst v63  }
0x3d: {  	s18 =	sand.u32 $0xFFFFF80, s26  }
0x3e: {  	s18 =	sadd.s32 s2, s18  }
0x3f: {  	[tilespmem:s12], [sflag:$0xA] =	stream.strided.gather [hbm4b:s18+s19], $0x1000, s20, s19, $0x38;
	[tilespmem:$0x10780] =	vst v63  }
0x40: {  	v2 =	vld [tilespmem:$0x2];
	_ =	sdelay $0x1  }
0x41: {  	v3 =	vld [tilespmem:$0x282];
	_ =	sdelay $0x2  }
0x42: {  	(v2sf) =	vpush v2, $0x0;
	_ =	sdelay $0x1  }
0x43: {  	(v2sf) =	vpush v3, $0x0;
	_ =	sdelay $0xc  }
0x44: {  	s8 =	spop (v2sf)  }
0x45: {  	s18 =	sand.u32 $0xFFFFF80, s8  }
0x46: {  	s11 =	spop (v2sf);
	s18 =	sadd.s32 s1, s18  }
0x47: {  	[tilespmem:s28], [sflag:$0x3] =	stream.strided.gather [hbm4b:s18+s19], $0x1000, s20, s19, $0x38;
	[tilespmem:$0x10780] =	vst v63  }
0x48: {  	s18 =	sand.u32 $0xFFFFF80, s11  }
0x49: {  	s18 =	sadd.s32 s2, s18  }
0x4a: {  	[tilespmem:s29], [sflag:$0xB] =	stream.strided.gather [hbm4b:s18+s19], $0x1000, s20, s19, $0x38;
	[tilespmem:$0x10780] =	vst v63  }
0x4b: {  	v2 =	vld [tilespmem:$0x3];
	_ =	sdelay $0x1  }
0x4c: {  	v3 =	vld [tilespmem:$0x283];
	_ =	sdelay $0x2  }
0x4d: {  	(v2sf) =	vpush v2, $0x0;
	_ =	sdelay $0x1  }
0x4e: {  	(v2sf) =	vpush v3, $0x0;
	_ =	sdelay $0xc  }
0x4f: {  	s12 =	spop (v2sf)  }
0x50: {  	s18 =	sand.u32 $0xFFFFF80, s12  }
0x51: {  	s21 =	spop (v2sf);
	s18 =	sadd.s32 s1, s18  }
0x52: {  	[tilespmem:s30], [sflag:$0x4] =	stream.strided.gather [hbm4b:s18+s19], $0x1000, s20, s19, $0x38;
	[tilespmem:$0x10780] =	vst v63  }
0x53: {  	s18 =	sand.u32 $0xFFFFF80, s21  }
0x54: {  	s18 =	sadd.s32 s2, s18  }
0x55: {  	[tilespmem:s31], [sflag:$0xC] =	stream.strided.gather [hbm4b:s18+s19], $0x1000, s20, s19, $0x38;
	[tilespmem:$0x10780] =	vst v63  }
0x56: {  	v2 =	vld [tilespmem:$0x4];
	_ =	sdelay $0x1  }
0x57: {  	v3 =	vld [tilespmem:$0x284];
	_ =	sdelay $0x2  }
0x58: {  	(v2sf) =	vpush v2, $0x0;
	_ =	sdelay $0x1  }
0x59: {  	(v2sf) =	vpush v3, $0x0;
	_ =	sdelay $0xc  }
0x5a: {  	s22 =	spop (v2sf)  }
0x5b: {  	s18 =	sand.u32 $0xFFFFF80, s22  }
0x5c: {  	s23 =	spop (v2sf);
	s18 =	sadd.s32 s1, s18  }
0x5d: {  	[tilespmem:s0], [sflag:$0x5] =	stream.strided.gather [hbm4b:s18+s19], $0x1000, s20, s19, $0x38;
	[tilespmem:$0x10780] =	vst v63  }
0x5e: {  	s18 =	sand.u32 $0xFFFFF80, s23  }
0x5f: {  	s18 =	sadd.s32 s2, s18  }
0x60: {  	[tilespmem:s3], [sflag:$0xD] =	stream.strided.gather [hbm4b:s18+s19], $0x1000, s20, s19, $0x38;
	[tilespmem:$0x10780] =	vst v63  }
0x61: {  	v2 =	vld [tilespmem:$0x5];
	_ =	sdelay $0x1  }
0x62: {  	v3 =	vld [tilespmem:$0x285];
	_ =	sdelay $0x2  }
0x63: {  	(v2sf) =	vpush v2, $0x0;
	_ =	sdelay $0x1  }
0x64: {  	(v2sf) =	vpush v3, $0x0;
	_ =	sdelay $0xc  }
0x65: {  	s25 =	spop (v2sf)  }
0x66: {  	s18 =	sand.u32 $0xFFFFF80, s25  }
0x67: {  	s26 =	spop (v2sf);
	s18 =	sadd.s32 s1, s18  }
0x68: {  	[tilespmem:s10], [sflag:$0x6] =	stream.strided.gather [hbm4b:s18+s19], $0x1000, s20, s19, $0x38;
	[tilespmem:$0x10780] =	vst v63  }
0x69: {  	s18 =	sand.u32 $0xFFFFF80, s26  }
0x6a: {  	s18 =	sadd.s32 s2, s18  }
0x6b: {  	[tilespmem:s5], [sflag:$0xE] =	stream.strided.gather [hbm4b:s18+s19], $0x1000, s20, s19, $0x38;
	[tilespmem:$0x10780] =	vst v63  }
0x6c: {  	v2 =	vld [tilespmem:$0x6];
	_ =	sdelay $0x1  }
0x6d: {  	v3 =	vld [tilespmem:$0x286];
	_ =	sdelay $0x2  }
0x6e: {  	(v2sf) =	vpush v2, $0x0;
	_ =	sdelay $0x1  }
0x6f: {  	(v2sf) =	vpush v3, $0x0;
	_ =	sdelay $0xc  }
0x70: {  	s28 =	spop (v2sf)  }
0x71: {  	s18 =	sand.u32 $0xFFFFF80, s28  }
0x72: {  	s29 =	spop (v2sf);
	s18 =	sadd.s32 s1, s18  }
0x73: {  	[tilespmem:s24], [sflag:$0x7] =	stream.strided.gather [hbm4b:s18+s19], $0x1000, s20, s19, $0x38;
	[tilespmem:$0x10780] =	vst v63  }
0x74: {  	s18 =	sand.u32 $0xFFFFF80, s29  }
0x75: {  	s18 =	sadd.s32 s2, s18  }
0x76: {  	[tilespmem:s6], [sflag:$0xF] =	stream.strided.gather [hbm4b:s18+s19], $0x1000, s20, s19, $0x38;
	[tilespmem:$0x10780] =	vst v63  }
0x77: {  	v2 =	vld [tilespmem:$0x7];
	_ =	sdelay $0x1  }
0x78: {  	v3 =	vld [tilespmem:$0x287];
	_ =	sdelay $0x2  }
0x79: {  	(v2sf) =	vpush v2, $0x0;
	_ =	sdelay $0x1  }
0x7a: {  	(v2sf) =	vpush v3, $0x0;
	_ =	sdelay $0xc  }
0x7b: {  	s30 =	spop (v2sf)  }
0x7c: {  	s18 =	sand.u32 $0xFFFFF80, s30  }
0x7d: {  	s31 =	spop (v2sf);
	s18 =	sadd.s32 s1, s18  }
0x7e: {  	[tilespmem:s7], [sflag:$0x8] =	stream.strided.gather [hbm4b:s18+s19], $0x1000, s20, s19, $0x38;
	[tilespmem:$0x10780] =	vst v63  }
0x7f: {  	s18 =	sand.u32 $0xFFFFF80, s31  }
0x80: {  	s18 =	sadd.s32 s2, s18  }
0x81: {  	[tilespmem:s4], [sflag:$0x10] =	stream.strided.gather [hbm4b:s18+s19], $0x1000, s20, s19, $0x38;
	[tilespmem:$0x10780] =	vst v63  }
0x82: {  	s8 =	simm.s32 $0x7500;
	s18 =	simm.s32 $0x0;
	s4 =	simm.s32 $0xF500  }
.LBB2_2:
0x83: {  	s0 =	simm.s32 $0x1  }
0x84: {  	_ =	swait.ge [sflag:s0], $0x1000  }
0x85: {  	[sflag:s0] =	ssyncset.done $0x0  }
0x86: {  	s21 =	simm.s32 $0x9;
	[sflag:s0] =	ssyncadd.s32 $0xFFFFF000  }
0x87: {  	_ =	swait.ge [sflag:s21], $0x1000  }
0x88: {  	[sflag:s21] =	ssyncset.done $0x0  }
0x89: {  	s19 =	sshra.s32 s18, $0x2;
	[sflag:s21] =	ssyncadd.s32 $0xFFFFF000  }
0x8a: {  	v2 =	vld [tilespmem:s19+$0x0];
	_ =	sdelay $0x1  }
0x8b: {  	v3 =	vld [tilespmem:s19+$0x280];
	_ =	sdelay $0x2  }
0x8c: {  	(v2sf) =	vpush v2, $0x0;
	_ =	sdelay $0x1  }
0x8d: {  	(v2sf) =	vpush v3, $0x0;
	_ =	sdelay $0xc  }
0x8e: {  	s20 =	spop (v2sf)  }
0x8f: {  	s20 =	sand.u32 $0x7F, s20  }
0x90: {  	s21 =	spop (v2sf);
	v2 =	vor.u32 s20, v0  }
0x91: {  	s21 =	sand.u32 $0x7F, s21;
	v4 =	vor.u32 s20, v1  }
0x92: {  	v3 =	vor.u32 s21, v0  }
0x93: {  	v5 =	vor.u32 s21, v1  }
0x94: {  	s22 =	simm.s32 $0x500  }
0x95: {  	v2 =	vld.idx.msk [tilespmem:v2+s22+$0x0], $0xffff  }
0x96: {  	s23 =	simm.s32 $0x8500;
	v4 =	vld.idx.msk [tilespmem:v4+s22+$0x0], $0xffff  }
0x97: {  	v3 =	vld.idx.msk [tilespmem:v3+s23+$0x0], $0xffff  }
0x98: {  	v5 =	vld.idx.msk [tilespmem:v5+s23+$0x0], $0xffff;
	_ =	sdelay $0x4  }
0x99: {  	v2 =	vmul.f32 v3, v2;
	v3 =	vmul.f32 v5, v4;
	_ =	sdelay $0x1  }
0x9a: {  	v2 =	vadd.f32 v3, v2;
	_ =	sdelay $0x1  }
0x9b: {  	(xrf2) =	vadd.scan.msk.f32 $0xffff, v2;
	_ =	sdelay $0x9  }
0x9c: {  	p0 =	seq.s32 s18, $0x7E0;
	v2, _, _ =	vpop (xrf2)  }
0x9d: {  	s22 =	sshra.s32 @!p0 s18, $0x2;
	[tilespmem:s19+$0x10500] =	vst.msk vm0, v2  }
0x9e: {  	v2 =	vld @!p0 [tilespmem:s22+$0x8];
	_ =	sdelay $0x4  }
0x9f: {  	(v2sf) =	vpush @!p0 v2, $0x0;
	v2 =	vld @!p0 [tilespmem:s22+$0x288];
	_ =	sdelay $0x4  }
0xa0: {  	(v2sf) =	vpush @!p0 v2, $0x0;
	_ =	sdelay $0xa  }
0xa1: {  	s20 =	spop @!p0 (v2sf)  }
0xa2: {  	s24 =	simm.s32 @!p0 $0x500;
	s20 =	sand.u32 @!p0 $0xFFFFF80, s20  }
0xa3: {  	s21 =	simm.s32 @!p0 $0x7A1400;
	s23 =	sadd.s32 @!p0 s1, s20;
	s20 =	simm.s32 @!p0 $0x400  }
0xa4: {  	[tilespmem:s24], [sflag:$0x1] =	stream.strided.gather @!p0 [hbm4b:s23+s20], $0x1000, s21, s20, $0x38;
	[tilespmem:$0x10780] =	vst v63  }
0xa5: {  	s23 =	spop @!p0 (v2sf)  }
0xa6: {  	s23 =	sand.u32 @!p0 $0xFFFFF80, s23  }
0xa7: {  	s24 =	simm.s32 @!p0 $0x8500;
	s23 =	sadd.s32 @!p0 s2, s23  }
0xa8: {  	[tilespmem:s24], [sflag:$0x9] =	stream.strided.gather @!p0 [hbm4b:s23+s20], $0x1000, s21, s20, $0x38;
	[tilespmem:$0x10780] =	vst v63  }
0xa9: {  	s24 =	simm.s32 $0x2  }
0xaa: {  	_ =	swait.ge [sflag:s24], $0x1000  }
0xab: {  	[sflag:s24] =	ssyncset.done $0x0  }
0xac: {  	s3 =	simm.s32 $0xA;
	[sflag:s24] =	ssyncadd.s32 $0xFFFFF000  }
0xad: {  	_ =	swait.ge [sflag:s3], $0x1000  }
0xae: {  	[sflag:s3] =	ssyncset.done $0x0  }
0xaf: {  	[sflag:s3] =	ssyncadd.s32 $0xFFFFF000  }
0xb0: {  	v2 =	vld [tilespmem:s19+$0x1];
	_ =	sdelay $0x1  }
0xb1: {  	v3 =	vld [tilespmem:s19+$0x281];
	_ =	sdelay $0x2  }
0xb2: {  	(v2sf) =	vpush v2, $0x0;
	_ =	sdelay $0x1  }
0xb3: {  	(v2sf) =	vpush v3, $0x0;
	_ =	sdelay $0xc  }
0xb4: {  	s5 =	spop (v2sf)  }
0xb5: {  	s23 =	sand.u32 $0x7F, s5  }
0xb6: {  	s6 =	spop (v2sf);
	v2 =	vor.u32 s23, v0  }
0xb7: {  	s24 =	sand.u32 $0x7F, s6;
	v50 =	vor.u32 s23, v1  }
0xb8: {  	v3 =	vor.u32 s24, v0  }
0xb9: {  	v51 =	vor.u32 s24, v1  }
0xba: {  	s7 =	simm.s32 $0x1500  }
0xbb: {  	v2 =	vld.idx.msk [tilespmem:v2+s7+$0x0], $0xffff  }
0xbc: {  	s10 =	simm.s32 $0x9500;
	v4 =	vld.idx.msk [tilespmem:v50+s7+$0x0], $0xffff  }
0xbd: {  	v3 =	vld.idx.msk [tilespmem:v3+s10+$0x0], $0xffff  }
0xbe: {  	v5 =	vld.idx.msk [tilespmem:v51+s10+$0x0], $0xffff;
	_ =	sdelay $0x4  }
0xbf: {  	v2 =	vmul.f32 v3, v2;
	v3 =	vmul.f32 v5, v4;
	_ =	sdelay $0x1  }
0xc0: {  	v2 =	vadd.f32 v3, v2;
	_ =	sdelay $0x1  }
0xc1: {  	(xrf2) =	vadd.scan.msk.f32 $0xffff, v2;
	_ =	sdelay $0x9  }
0xc2: {  	v2, _, _ =	vpop (xrf2)  }
0xc3: {  	[tilespmem:s19+$0x10501] =	vst.msk vm0, v2  }
0xc4: {  	v2 =	vld @!p0 [tilespmem:s22+$0x9];
	_ =	sdelay $0x3  }
0xc5: {  	v3 =	vld @!p0 [tilespmem:s22+$0x289]  }
0xc6: {  	(v2sf) =	vpush @!p0 v2, $0x0;
	_ =	sdelay $0x3  }
0xc7: {  	(v2sf) =	vpush @!p0 v3, $0x0;
	_ =	sdelay $0xa  }
0xc8: {  	s23 =	spop @!p0 (v2sf)  }
0xc9: {  	s23 =	sand.u32 @!p0 $0xFFFFF80, s23  }
0xca: {  	s24 =	simm.s32 @!p0 $0x1500;
	s23 =	sadd.s32 @!p0 s1, s23  }
0xcb: {  	[tilespmem:s24], [sflag:$0x2] =	stream.strided.gather @!p0 [hbm4b:s23+s20], $0x1000, s21, s20, $0x38;
	[tilespmem:$0x10780] =	vst v63  }
0xcc: {  	s23 =	spop @!p0 (v2sf)  }
0xcd: {  	s23 =	sand.u32 @!p0 $0xFFFFF80, s23  }
0xce: {  	s24 =	simm.s32 @!p0 $0x9500;
	s23 =	sadd.s32 @!p0 s2, s23  }
0xcf: {  	[tilespmem:s24], [sflag:$0xA] =	stream.strided.gather @!p0 [hbm4b:s23+s20], $0x1000, s21, s20, $0x38;
	[tilespmem:$0x10780] =	vst v63  }
0xd0: {  	s24 =	simm.s32 $0x3  }
0xd1: {  	_ =	swait.ge [sflag:s24], $0x1000  }
0xd2: {  	[sflag:s24] =	ssyncset.done $0x0  }
0xd3: {  	s3 =	simm.s32 $0xB;
	[sflag:s24] =	ssyncadd.s32 $0xFFFFF000  }
0xd4: {  	_ =	swait.ge [sflag:s3], $0x1000  }
0xd5: {  	[sflag:s3] =	ssyncset.done $0x0  }
0xd6: {  	[sflag:s3] =	ssyncadd.s32 $0xFFFFF000  }
0xd7: {  	v2 =	vld [tilespmem:s19+$0x2];
	_ =	sdelay $0x1  }
0xd8: {  	v3 =	vld [tilespmem:s19+$0x282];
	_ =	sdelay $0x2  }
0xd9: {  	(v2sf) =	vpush v2, $0x0;
	_ =	sdelay $0x1  }
0xda: {  	(v2sf) =	vpush v3, $0x0;
	_ =	sdelay $0xc  }
0xdb: {  	s5 =	spop (v2sf)  }
0xdc: {  	s23 =	sand.u32 $0x7F, s5  }
0xdd: {  	s6 =	spop (v2sf);
	v2 =	vor.u32 s23, v0  }
0xde: {  	s24 =	sand.u32 $0x7F, s6;
	v52 =	vor.u32 s23, v1  }
0xdf: {  	v3 =	vor.u32 s24, v0  }
0xe0: {  	v53 =	vor.u32 s24, v1  }
0xe1: {  	s7 =	simm.s32 $0x2500  }
0xe2: {  	v2 =	vld.idx.msk [tilespmem:v2+s7+$0x0], $0xffff  }
0xe3: {  	s10 =	simm.s32 $0xA500;
	v4 =	vld.idx.msk [tilespmem:v52+s7+$0x0], $0xffff  }
0xe4: {  	v3 =	vld.idx.msk [tilespmem:v3+s10+$0x0], $0xffff  }
0xe5: {  	v5 =	vld.idx.msk [tilespmem:v53+s10+$0x0], $0xffff;
	_ =	sdelay $0x4  }
0xe6: {  	v2 =	vmul.f32 v3, v2;
	v3 =	vmul.f32 v5, v4;
	_ =	sdelay $0x1  }
0xe7: {  	v2 =	vadd.f32 v3, v2;
	_ =	sdelay $0x1  }
0xe8: {  	(xrf2) =	vadd.scan.msk.f32 $0xffff, v2;
	_ =	sdelay $0x9  }
0xe9: {  	v2, _, _ =	vpop (xrf2)  }
0xea: {  	[tilespmem:s19+$0x10502] =	vst.msk vm0, v2  }
0xeb: {  	v2 =	vld @!p0 [tilespmem:s22+$0xA];
	_ =	sdelay $0x3  }
0xec: {  	v3 =	vld @!p0 [tilespmem:s22+$0x28A]  }
0xed: {  	(v2sf) =	vpush @!p0 v2, $0x0;
	_ =	sdelay $0x3  }
0xee: {  	(v2sf) =	vpush @!p0 v3, $0x0;
	_ =	sdelay $0xa  }
0xef: {  	s23 =	spop @!p0 (v2sf)  }
0xf0: {  	s23 =	sand.u32 @!p0 $0xFFFFF80, s23  }
0xf1: {  	s24 =	simm.s32 @!p0 $0x2500;
	s23 =	sadd.s32 @!p0 s1, s23  }
0xf2: {  	[tilespmem:s24], [sflag:$0x3] =	stream.strided.gather @!p0 [hbm4b:s23+s20], $0x1000, s21, s20, $0x38;
	[tilespmem:$0x10780] =	vst v63  }
0xf3: {  	s23 =	spop @!p0 (v2sf)  }
0xf4: {  	s23 =	sand.u32 @!p0 $0xFFFFF80, s23  }
0xf5: {  	s24 =	simm.s32 @!p0 $0xA500;
	s23 =	sadd.s32 @!p0 s2, s23  }
0xf6: {  	[tilespmem:s24], [sflag:$0xB] =	stream.strided.gather @!p0 [hbm4b:s23+s20], $0x1000, s21, s20, $0x38;
	[tilespmem:$0x10780] =	vst v63  }
0xf7: {  	s24 =	simm.s32 $0x4  }
0xf8: {  	_ =	swait.ge [sflag:s24], $0x1000  }
0xf9: {  	[sflag:s24] =	ssyncset.done $0x0  }
0xfa: {  	s3 =	simm.s32 $0xC;
	[sflag:s24] =	ssyncadd.s32 $0xFFFFF000  }
0xfb: {  	_ =	swait.ge [sflag:s3], $0x1000  }
0xfc: {  	[sflag:s3] =	ssyncset.done $0x0  }
0xfd: {  	[sflag:s3] =	ssyncadd.s32 $0xFFFFF000  }
0xfe: {  	v2 =	vld [tilespmem:s19+$0x3];
	_ =	sdelay $0x1  }
0xff: {  	v3 =	vld [tilespmem:s19+$0x283];
	_ =	sdelay $0x2  }
0x100: {  	(v2sf) =	vpush v2, $0x0;
	_ =	sdelay $0x1  }
0x101: {  	(v2sf) =	vpush v3, $0x0;
	_ =	sdelay $0xc  }
0x102: {  	s5 =	spop (v2sf)  }
0x103: {  	s23 =	sand.u32 $0x7F, s5  }
0x104: {  	s6 =	spop (v2sf);
	v2 =	vor.u32 s23, v0  }
0x105: {  	s24 =	sand.u32 $0x7F, s6;
	v54 =	vor.u32 s23, v1  }
0x106: {  	v3 =	vor.u32 s24, v0  }
0x107: {  	v55 =	vor.u32 s24, v1  }
0x108: {  	s7 =	simm.s32 $0x3500  }
0x109: {  	v2 =	vld.idx.msk [tilespmem:v2+s7+$0x0], $0xffff  }
0x10a: {  	s10 =	simm.s32 $0xB500;
	v4 =	vld.idx.msk [tilespmem:v54+s7+$0x0], $0xffff  }
0x10b: {  	v3 =	vld.idx.msk [tilespmem:v3+s10+$0x0], $0xffff  }
0x10c: {  	v5 =	vld.idx.msk [tilespmem:v55+s10+$0x0], $0xffff;
	_ =	sdelay $0x4  }
0x10d: {  	v2 =	vmul.f32 v3, v2;
	v3 =	vmul.f32 v5, v4;
	_ =	sdelay $0x1  }
0x10e: {  	v2 =	vadd.f32 v3, v2;
	_ =	sdelay $0x1  }
0x10f: {  	(xrf2) =	vadd.scan.msk.f32 $0xffff, v2;
	_ =	sdelay $0x9  }
0x110: {  	v2, _, _ =	vpop (xrf2)  }
0x111: {  	[tilespmem:s19+$0x10503] =	vst.msk vm0, v2  }
0x112: {  	v2 =	vld @!p0 [tilespmem:s22+$0xB];
	_ =	sdelay $0x3  }
0x113: {  	v3 =	vld @!p0 [tilespmem:s22+$0x28B]  }
0x114: {  	(v2sf) =	vpush @!p0 v2, $0x0;
	_ =	sdelay $0x3  }
0x115: {  	(v2sf) =	vpush @!p0 v3, $0x0;
	_ =	sdelay $0xa  }
0x116: {  	s23 =	spop @!p0 (v2sf)  }
0x117: {  	s23 =	sand.u32 @!p0 $0xFFFFF80, s23  }
0x118: {  	s24 =	simm.s32 @!p0 $0x3500;
	s23 =	sadd.s32 @!p0 s1, s23  }
0x119: {  	[tilespmem:s24], [sflag:$0x4] =	stream.strided.gather @!p0 [hbm4b:s23+s20], $0x1000, s21, s20, $0x38;
	[tilespmem:$0x10780] =	vst v63  }
0x11a: {  	s23 =	spop @!p0 (v2sf)  }
0x11b: {  	s23 =	sand.u32 @!p0 $0xFFFFF80, s23  }
0x11c: {  	s24 =	simm.s32 @!p0 $0xB500;
	s23 =	sadd.s32 @!p0 s2, s23  }
0x11d: {  	[tilespmem:s24], [sflag:$0xC] =	stream.strided.gather @!p0 [hbm4b:s23+s20], $0x1000, s21, s20, $0x38;
	[tilespmem:$0x10780] =	vst v63  }
0x11e: {  	s24 =	simm.s32 $0x5  }
0x11f: {  	_ =	swait.ge [sflag:s24], $0x1000  }
0x120: {  	[sflag:s24] =	ssyncset.done $0x0  }
0x121: {  	s3 =	simm.s32 $0xD;
	[sflag:s24] =	ssyncadd.s32 $0xFFFFF000  }
0x122: {  	_ =	swait.ge [sflag:s3], $0x1000  }
0x123: {  	[sflag:s3] =	ssyncset.done $0x0  }
0x124: {  	[sflag:s3] =	ssyncadd.s32 $0xFFFFF000  }
0x125: {  	v2 =	vld [tilespmem:s19+$0x4];
	_ =	sdelay $0x1  }
0x126: {  	v3 =	vld [tilespmem:s19+$0x284];
	_ =	sdelay $0x2  }
0x127: {  	(v2sf) =	vpush v2, $0x0;
	_ =	sdelay $0x1  }
0x128: {  	(v2sf) =	vpush v3, $0x0;
	_ =	sdelay $0xc  }
0x129: {  	s5 =	spop (v2sf)  }
0x12a: {  	s23 =	sand.u32 $0x7F, s5  }
0x12b: {  	s6 =	spop (v2sf);
	v2 =	vor.u32 s23, v0  }
0x12c: {  	s24 =	sand.u32 $0x7F, s6;
	v56 =	vor.u32 s23, v1  }
0x12d: {  	v3 =	vor.u32 s24, v0  }
0x12e: {  	v57 =	vor.u32 s24, v1  }
0x12f: {  	s7 =	simm.s32 $0x4500  }
0x130: {  	v2 =	vld.idx.msk [tilespmem:v2+s7+$0x0], $0xffff  }
0x131: {  	s10 =	simm.s32 $0xC500;
	v4 =	vld.idx.msk [tilespmem:v56+s7+$0x0], $0xffff  }
0x132: {  	v3 =	vld.idx.msk [tilespmem:v3+s10+$0x0], $0xffff  }
0x133: {  	v5 =	vld.idx.msk [tilespmem:v57+s10+$0x0], $0xffff;
	_ =	sdelay $0x4  }
0x134: {  	v2 =	vmul.f32 v3, v2;
	v3 =	vmul.f32 v5, v4;
	_ =	sdelay $0x1  }
0x135: {  	v2 =	vadd.f32 v3, v2;
	_ =	sdelay $0x1  }
0x136: {  	(xrf2) =	vadd.scan.msk.f32 $0xffff, v2;
	_ =	sdelay $0x9  }
0x137: {  	v2, _, _ =	vpop (xrf2)  }
0x138: {  	[tilespmem:s19+$0x10504] =	vst.msk vm0, v2  }
0x139: {  	v2 =	vld @!p0 [tilespmem:s22+$0xC];
	_ =	sdelay $0x3  }
0x13a: {  	v3 =	vld @!p0 [tilespmem:s22+$0x28C]  }
0x13b: {  	(v2sf) =	vpush @!p0 v2, $0x0;
	_ =	sdelay $0x3  }
0x13c: {  	(v2sf) =	vpush @!p0 v3, $0x0;
	_ =	sdelay $0xa  }
0x13d: {  	s23 =	spop @!p0 (v2sf)  }
0x13e: {  	s23 =	sand.u32 @!p0 $0xFFFFF80, s23  }
0x13f: {  	s24 =	simm.s32 @!p0 $0x4500;
	s23 =	sadd.s32 @!p0 s1, s23  }
0x140: {  	[tilespmem:s24], [sflag:$0x5] =	stream.strided.gather @!p0 [hbm4b:s23+s20], $0x1000, s21, s20, $0x38;
	[tilespmem:$0x10780] =	vst v63  }
0x141: {  	s23 =	spop @!p0 (v2sf)  }
0x142: {  	s23 =	sand.u32 @!p0 $0xFFFFF80, s23  }
0x143: {  	s24 =	simm.s32 @!p0 $0xC500;
	s23 =	sadd.s32 @!p0 s2, s23  }
0x144: {  	[tilespmem:s24], [sflag:$0xD] =	stream.strided.gather @!p0 [hbm4b:s23+s20], $0x1000, s21, s20, $0x38;
	[tilespmem:$0x10780] =	vst v63  }
0x145: {  	_ =	swait.ge [sflag:s9], $0x1000  }
0x146: {  	[sflag:s9] =	ssyncset.done $0x0  }
0x147: {  	[sflag:s9] =	ssyncadd.s32 $0xFFFFF000  }
0x148: {  	_ =	swait.ge [sflag:s13], $0x1000  }
0x149: {  	[sflag:s13] =	ssyncset.done $0x0  }
0x14a: {  	[sflag:s13] =	ssyncadd.s32 $0xFFFFF000  }
0x14b: {  	v2 =	vld [tilespmem:s19+$0x5];
	_ =	sdelay $0x1  }
0x14c: {  	v3 =	vld [tilespmem:s19+$0x285];
	_ =	sdelay $0x2  }
0x14d: {  	(v2sf) =	vpush v2, $0x0;
	_ =	sdelay $0x1  }
0x14e: {  	(v2sf) =	vpush v3, $0x0;
	_ =	sdelay $0xc  }
0x14f: {  	s24 =	spop (v2sf)  }
0x150: {  	s23 =	sand.u32 $0x7F, s24  }
0x151: {  	s5 =	spop (v2sf);
	v2 =	vor.u32 s23, v0  }
0x152: {  	s24 =	sand.u32 $0x7F, s5;
	v58 =	vor.u32 s23, v1  }
0x153: {  	v3 =	vor.u32 s24, v0  }
0x154: {  	v59 =	vor.u32 s24, v1  }
0x155: {  	s6 =	simm.s32 $0x5500  }
0x156: {  	v2 =	vld.idx.msk [tilespmem:v2+s6+$0x0], $0xffff  }
0x157: {  	s7 =	simm.s32 $0xD500;
	v4 =	vld.idx.msk [tilespmem:v58+s6+$0x0], $0xffff  }
0x158: {  	v3 =	vld.idx.msk [tilespmem:v3+s7+$0x0], $0xffff  }
0x159: {  	v5 =	vld.idx.msk [tilespmem:v59+s7+$0x0], $0xffff;
	_ =	sdelay $0x4  }
0x15a: {  	v2 =	vmul.f32 v3, v2;
	v3 =	vmul.f32 v5, v4;
	_ =	sdelay $0x1  }
0x15b: {  	v2 =	vadd.f32 v3, v2;
	_ =	sdelay $0x1  }
0x15c: {  	(xrf2) =	vadd.scan.msk.f32 $0xffff, v2;
	_ =	sdelay $0x9  }
0x15d: {  	v2, _, _ =	vpop (xrf2)  }
0x15e: {  	[tilespmem:s19+$0x10505] =	vst.msk vm0, v2  }
0x15f: {  	v2 =	vld @!p0 [tilespmem:s22+$0xD];
	_ =	sdelay $0x3  }
0x160: {  	v3 =	vld @!p0 [tilespmem:s22+$0x28D]  }
0x161: {  	(v2sf) =	vpush @!p0 v2, $0x0;
	_ =	sdelay $0x3  }
0x162: {  	(v2sf) =	vpush @!p0 v3, $0x0;
	_ =	sdelay $0xa  }
0x163: {  	s23 =	spop @!p0 (v2sf)  }
0x164: {  	s23 =	sand.u32 @!p0 $0xFFFFF80, s23  }
0x165: {  	s24 =	simm.s32 @!p0 $0x5500;
	s23 =	sadd.s32 @!p0 s1, s23  }
0x166: {  	[tilespmem:s24], [sflag:$0x6] =	stream.strided.gather @!p0 [hbm4b:s23+s20], $0x1000, s21, s20, $0x38;
	[tilespmem:$0x10780] =	vst v63  }
0x167: {  	s23 =	spop @!p0 (v2sf)  }
0x168: {  	s23 =	sand.u32 @!p0 $0xFFFFF80, s23  }
0x169: {  	s24 =	simm.s32 @!p0 $0xD500;
	s23 =	sadd.s32 @!p0 s2, s23  }
0x16a: {  	[tilespmem:s24], [sflag:$0xE] =	stream.strided.gather @!p0 [hbm4b:s23+s20], $0x1000, s21, s20, $0x38;
	[tilespmem:$0x10780] =	vst v63  }
0x16b: {  	_ =	swait.ge [sflag:s14], $0x1000  }
0x16c: {  	[sflag:s14] =	ssyncset.done $0x0  }
0x16d: {  	[sflag:s14] =	ssyncadd.s32 $0xFFFFF000  }
0x16e: {  	_ =	swait.ge [sflag:s15], $0x1000  }
0x16f: {  	[sflag:s15] =	ssyncset.done $0x0  }
0x170: {  	[sflag:s15] =	ssyncadd.s32 $0xFFFFF000  }
0x171: {  	v2 =	vld [tilespmem:s19+$0x6];
	_ =	sdelay $0x1  }
0x172: {  	v3 =	vld [tilespmem:s19+$0x286];
	_ =	sdelay $0x2  }
0x173: {  	(v2sf) =	vpush v2, $0x0;
	_ =	sdelay $0x1  }
0x174: {  	(v2sf) =	vpush v3, $0x0;
	_ =	sdelay $0xc  }
0x175: {  	s6 =	spop (v2sf)  }
0x176: {  	s23 =	sand.u32 $0x7F, s6  }
0x177: {  	s7 =	spop (v2sf);
	v2 =	vor.u32 s23, v0  }
0x178: {  	s24 =	sand.u32 $0x7F, s7;
	v60 =	vor.u32 s23, v1  }
0x179: {  	v3 =	vor.u32 s24, v0  }
0x17a: {  	v61 =	vor.u32 s24, v1  }
0x17b: {  	s6 =	simm.s32 $0x6500  }
0x17c: {  	v2 =	vld.idx.msk [tilespmem:v2+s6+$0x0], $0xffff  }
0x17d: {  	s7 =	simm.s32 $0xE500;
	v4 =	vld.idx.msk [tilespmem:v60+s6+$0x0], $0xffff  }
0x17e: {  	v3 =	vld.idx.msk [tilespmem:v3+s7+$0x0], $0xffff  }
0x17f: {  	v5 =	vld.idx.msk [tilespmem:v61+s7+$0x0], $0xffff;
	_ =	sdelay $0x4  }
0x180: {  	v2 =	vmul.f32 v3, v2;
	v3 =	vmul.f32 v5, v4;
	_ =	sdelay $0x1  }
0x181: {  	v2 =	vadd.f32 v3, v2;
	_ =	sdelay $0x1  }
0x182: {  	(xrf2) =	vadd.scan.msk.f32 $0xffff, v2;
	_ =	sdelay $0x9  }
0x183: {  	v2, _, _ =	vpop (xrf2)  }
0x184: {  	[tilespmem:s19+$0x10506] =	vst.msk vm0, v2  }
0x185: {  	v2 =	vld @!p0 [tilespmem:s22+$0xE];
	_ =	sdelay $0x3  }
0x186: {  	v3 =	vld @!p0 [tilespmem:s22+$0x28E]  }
0x187: {  	(v2sf) =	vpush @!p0 v2, $0x0;
	_ =	sdelay $0x3  }
0x188: {  	(v2sf) =	vpush @!p0 v3, $0x0;
	_ =	sdelay $0xa  }
0x189: {  	s22 =	spop @!p0 (v2sf)  }
0x18a: {  	s22 =	sand.u32 @!p0 $0xFFFFF80, s22  }
0x18b: {  	s23 =	simm.s32 @!p0 $0x6500;
	s22 =	sadd.s32 @!p0 s1, s22  }
0x18c: {  	[tilespmem:s23], [sflag:$0x7] =	stream.strided.gather @!p0 [hbm4b:s22+s20], $0x1000, s21, s20, $0x38;
	[tilespmem:$0x10780] =	vst v63  }
0x18d: {  	s22 =	spop @!p0 (v2sf)  }
0x18e: {  	s22 =	sand.u32 @!p0 $0xFFFFF80, s22  }
0x18f: {  	s23 =	simm.s32 @!p0 $0xE500;
	s22 =	sadd.s32 @!p0 s2, s22  }
0x190: {  	[tilespmem:s23], [sflag:$0xF] =	stream.strided.gather @!p0 [hbm4b:s22+s20], $0x1000, s21, s20, $0x38;
	[tilespmem:$0x10780] =	vst v63  }
0x191: {  	_ =	swait.ge [sflag:s16], $0x1000  }
0x192: {  	[sflag:s16] =	ssyncset.done $0x0  }
0x193: {  	[sflag:s16] =	ssyncadd.s32 $0xFFFFF000  }
0x194: {  	_ =	swait.ge [sflag:s17], $0x1000  }
0x195: {  	[sflag:s17] =	ssyncset.done $0x0  }
0x196: {  	[sflag:s17] =	ssyncadd.s32 $0xFFFFF000  }
0x197: {  	v2 =	vld [tilespmem:s19+$0x7];
	_ =	sdelay $0x1  }
0x198: {  	v3 =	vld [tilespmem:s19+$0x287];
	_ =	sdelay $0x2  }
0x199: {  	(v2sf) =	vpush v2, $0x0;
	_ =	sdelay $0x1  }
0x19a: {  	(v2sf) =	vpush v3, $0x0;
	_ =	sdelay $0xc  }
0x19b: {  	s22 =	spop (v2sf)  }
0x19c: {  	s20 =	sand.u32 $0x7F, s22  }
0x19d: {  	s23 =	spop (v2sf);
	v2 =	vor.u32 s20, v0  }
0x19e: {  	s21 =	sand.u32 $0x7F, s23;
	v62 =	vor.u32 s20, v1  }
0x19f: {  	v3 =	vor.u32 s21, v0  }
0x1a0: {  	v63 =	vor.u32 s21, v1;
	_ =	sdelay $0x1  }
0x1a1: {  	v2 =	vld.idx.msk [tilespmem:v2+s8+$0x0], $0xffff  }
0x1a2: {  	v4 =	vld.idx.msk [tilespmem:v62+s8+$0x0], $0xffff  }
0x1a3: {  	v3 =	vld.idx.msk [tilespmem:v3+s4+$0x0], $0xffff  }
0x1a4: {  	v5 =	vld.idx.msk [tilespmem:v63+s4+$0x0], $0xffff;
	_ =	sdelay $0x4  }
0x1a5: {  	v2 =	vmul.f32 v3, v2;
	v3 =	vmul.f32 v5, v4;
	_ =	sdelay $0x1  }
0x1a6: {  	v2 =	vadd.f32 v3, v2;
	_ =	sdelay $0x1  }
0x1a7: {  	(xrf2) =	vadd.scan.msk.f32 $0xffff, v2;
	_ =	sdelay $0x5  }
0x1a8: {  	s25 =	simm.s32 $0x500;
	s26 =	simm.s32 $0x8500  }
.Ltmp2:
0x1a9: {  	s11 =	simm.s32 $0x1500;
	s12 =	simm.s32 $0x9500;
	(pc) =	sbr.rel @p0 .LBB2_4-.Ltmp2, $4  }
0x1aa: {  	s28 =	simm.s32 $0x2500;
	s29 =	simm.s32 $0xA500;
	s30 =	simm.s32 $0x3500  }
0x1ab: {  	s31 =	simm.s32 $0xB500;
	s0 =	simm.s32 $0x4500;
	s3 =	simm.s32 $0xC500  }
0x1ac: {  	s10 =	simm.s32 $0x5500;
	s5 =	simm.s32 $0xD500;
	s24 =	simm.s32 $0x6500;
	v2, _, _ =	vpop (xrf2)  }
0x1ad: {  	s6 =	simm.s32 $0xE500;
	s7 =	simm.s32 $0x7500;
	s4 =	simm.s32 $0xF500;
	[tilespmem:s19+$0x10507] =	vst.msk vm0, v2  }
0x1ae: {  	v2 =	vld [tilespmem:s19+$0xF];
	_ =	sdelay $0x3  }
0x1af: {  	v3 =	vld [tilespmem:s19+$0x28F]  }
0x1b0: {  	(v2sf) =	vpush v2, $0x0;
	_ =	sdelay $0x3  }
0x1b1: {  	(v2sf) =	vpush v3, $0x0;
	_ =	sdelay $0xa  }
0x1b2: {  	s30 =	spop (v2sf)  }
0x1b3: {  	s19 =	sand.u32 $0xFFFFF80, s30  }
0x1b4: {  	s11 =	simm.s32 $0x400;
	s12 =	simm.s32 $0x7A1400;
	s19 =	sadd.s32 s1, s19  }
0x1b5: {  	[tilespmem:s7], [sflag:$0x8] =	stream.strided.gather [hbm4b:s19+s11], $0x1000, s12, s11, $0x38;
	[tilespmem:$0x10780] =	vst v63  }
.Ltmp3:
0x1b6: {  	s31 =	spop (v2sf);
	(pc) =	sbr.rel .LBB2_2-.Ltmp3, $4  }
0x1b7: {  	s19 =	sand.u32 $0xFFFFF80, s31  }
0x1b8: {  	s19 =	sadd.s32 s2, s19  }
0x1b9: {  	[tilespmem:s4], [sflag:$0x10] =	stream.strided.gather [hbm4b:s19+s11], $0x1000, s12, s11, $0x38;
	[tilespmem:$0x10780] =	vst v63  }
0x1ba: {  	s18 =	sadd.s32 $0x20, s18;
	s8 =	simm.s32 $0x7500;
	s4 =	simm.s32 $0xF500  }
.LBB2_5:
0x1bb: {  	_ =	sfence.sel $0x180000  }
0x1bc: {  	[bflag:$0x0] =	sbarrier.arrive $0xFFFF  }
0x1bd: {  	_ =	strace $0x90000047  }
0x1be: {  	s0 =	stileid.u32;
	[bflag:$0x2] =	sbarrier.arrive $0xFFFF  }
0x1bf: {  	p0 =	sne.s32 s0, $0x0;
	s0 =	rddreg [dreg:$0x5]  }
0x1c0: {  	s0 =	sadd.s32 @!p0 $0x100000, s0  }
0x1c1: {  	[sflag:s0] =	ssyncadd.tile.s32 @!p0 $0x1;
	_ =	shalt  }
.Lfunc_end2:
_tile_overlayer_lowered:
.L_overlay_start_2:
0x1c2: {  	(tag) =	ssettag $0x2  }
0x1c3: {  	s0 =	rddreg [dreg:$0x0];
	s2 =	stileid.u32  }
0x1c4: {  	s1 =	rddreg [dreg:$0x1];
	p0 =	sne.s32 s2, $0x0  }
0x1c5: {  	s3 =	rddreg [dreg:$0x2];
	[bflag:$0x3] =	sbarrier.arrive $0xFFFF;
	s2 =	simm.s32 @!p0 $0x1C11  }
0x1c6: {  	[timem:s3], [sflag:s2] =	dma.local @!p0 [hbm:s0], s1  }
0x1c7: {  	s0 =	simm.s32 @!p0 $0x11  }
0x1c8: {  	_ =	swait.ge @!p0 [sflag:s0], s1  }
0x1c9: {  	s1 =	ssub.s32 @!p0 $0x0, s1;
	[sflag:s0] =	ssyncset.done @!p0 $0x0  }
0x1ca: {  	[sflag:s0] =	ssyncadd.s32 @!p0 s1  }
0x1cb: {  	[bflag:$0x3] =	sbarrier.arrive $0xFFFF  }
0x1cc: {  	_ =	shalt  }

</sc_bundles>
